<compile_context>
chip_gen: v7x
topology: tpu7x:2x2x1
jax: 0.10.2.dev20260603
libtpu: 0.0.44.dev20260713+nightly
codegen_flags: <defaults>
</compile_context>

<pallas_src>
import jax
import jax.numpy as jnp
import numpy as np
from jax import lax
from jax.experimental import pallas as pl
from jax.experimental.pallas import tpu as pltpu
from jax.experimental.pallas import tpu_sc as plsc

B = 1024
M = 10
S = 20
H = 224
W = 224
NHID = 100
NOUT = 10
LOG2PI = np.float32(np.log(2.0 * np.pi))


def _rand_consts():
    skey = jax.random.key(1234)
    gs, zs = [], []
    for i in range(S):
        k1, k2 = jax.random.split(jax.random.fold_in(skey, i))
        gs.append(jax.random.gumbel(k1, (B, M), jnp.float32))
        zs.append(jax.random.normal(k2, (B, 2), jnp.float32))
    g = jnp.stack(gs).transpose(2, 0, 1)
    z = jnp.stack(zs).transpose(2, 0, 1)
    return g, z


def _sample_body(mg_ref, g_ref, z_ref, idx_ref, cidx_ref, loc0_ref, loc1_ref,
                 flp_ref):
    biota1 = lax.broadcasted_iota(jnp.int32, (1, B), 1)
    pis = [mg_ref[0, m] for m in range(M)]
    pv = []
    for j in range(M):
        compj = (biota1 * M + j) >> 10
        acc = jnp.full((1, B), pis[0])
        for m in range(1, M):
            acc = jnp.where(compj == m, pis[m], acc)
        pv.append(acc)
    mx = pv[0]
    for j in range(1, M):
        mx = jnp.maximum(mx, pv[j])
    es = [jnp.exp(p - mx) for p in pv]
    ssum = es[0]
    for j in range(1, M):
        ssum = ssum + es[j]
    lgs = [jnp.log(e / ssum) for e in es]

    best = lgs[0] + g_ref[0]
    jidx = jnp.zeros((S, B), jnp.int32)
    for j in range(1, M):
        sc = lgs[j] + g_ref[j]
        take = sc > best
        best = jnp.where(take, sc, best)
        jidx = jnp.where(take, j, jidx)
    biota2 = lax.broadcasted_iota(jnp.int32, (S, B), 1)
    comp = (biota2 * M + jidx) >> 10

    def sel(row):
        vals = [mg_ref[row, m] for m in range(M)]
        acc = jnp.full((S, B), vals[0])
        for m in range(1, M):
            acc = jnp.where(comp == m, vals[m], acc)
        return acc

    mux = sel(1)
    muy = sel(2)
    sx = jnp.exp(sel(3))
    sy = jnp.exp(sel(4))
    r = jnp.tanh(sel(5))
    a01 = r * sx * sy
    l00 = jnp.sqrt(sx * sx)
    l10 = a01 / l00
    l11 = jnp.sqrt(sy * sy - l10 * l10)
    z0 = z_ref[0]
    z1 = z_ref[1]
    xs0 = mux + l00 * z0
    xs1 = muy + (l10 * z0 + l11 * z1)
    d0 = xs0 - mux
    d1 = xs1 - muy
    y0 = d0 / l00
    y1 = (d1 - l10 * y0) / l11
    logprob = (-0.5 * (y0 * y0 + y1 * y1) - jnp.log(l00) - jnp.log(l11)
               - LOG2PI)
    loc0 = jnp.tanh(xs0)
    loc1 = jnp.tanh(xs1)
    di0 = (0.5 * ((loc0 + 1.0) * H) - 0.1).astype(jnp.int32)
    di1 = (0.5 * ((loc1 + 1.0) * W) - 0.1).astype(jnp.int32)
    idx_ref[...] = biota2 * H + di0
    cidx_ref[...] = di1
    loc0_ref[...] = loc0
    loc1_ref[...] = loc1
    flp_ref[...] = jnp.sum(logprob, axis=0, keepdims=True)


def _run_sample(mg, g, z):
    return pl.pallas_call(
        _sample_body,
        out_shape=(
            jax.ShapeDtypeStruct((S, B), jnp.int32),
            jax.ShapeDtypeStruct((S, B), jnp.int32),
            jax.ShapeDtypeStruct((S, B), jnp.float32),
            jax.ShapeDtypeStruct((S, B), jnp.float32),
            jax.ShapeDtypeStruct((1, B), jnp.float32),
        ),
        in_specs=[
            pl.BlockSpec(memory_space=pltpu.SMEM),
            pl.BlockSpec(memory_space=pltpu.VMEM),
            pl.BlockSpec(memory_space=pltpu.VMEM),
        ],
    )(mg, g, z)


def _sc_gather(x2d, ridx, cidx):
    info = plsc.get_sparse_core_info()
    nc, ns, nl = info.num_cores, info.num_subcores, info.num_lanes
    nw = nc * ns
    chunk = (S * B) // nw
    half = chunk // 2
    mesh = plsc.VectorSubcoreMesh(core_axis_name="c", subcore_axis_name="s")

    def body(x_hbm, ridx_hbm, cidx_hbm, out_hbm, ridx_v, cidx_v, rows_v,
             out_v, sem):
        wid = lax.axis_index("s") * nc + lax.axis_index("c")
        base = wid * chunk
        pltpu.sync_copy(ridx_hbm.at[pl.ds(base, chunk)], ridx_v)
        pltpu.sync_copy(cidx_hbm.at[pl.ds(base, chunk)], cidx_v)
        for hh in range(2):
            pltpu.async_copy(x_hbm.at[ridx_v.at[pl.ds(hh * half, half)]],
                             rows_v, sem).wait()
            for grp in range(half // nl):
                rows16 = lax.iota(jnp.int32, nl) + grp * nl
                cols16 = cidx_v[pl.ds(hh * half + grp * nl, nl)]
                out_v[pl.ds(hh * half + grp * nl, nl)] = plsc.load_gather(
                    rows_v, [rows16, cols16])
        pltpu.sync_copy(out_v, out_hbm.at[pl.ds(base, chunk)])

    return pl.kernel(
        body,
        mesh=mesh,
        out_type=jax.ShapeDtypeStruct((S * B,), jnp.float32),
        compiler_params=pltpu.CompilerParams(use_tc_tiling_on_sc=False,
                                             needs_layout_passes=False),
        scratch_types=[
            pltpu.VMEM((chunk,), jnp.int32),
            pltpu.VMEM((chunk,), jnp.int32),
            pltpu.VMEM((half, W), jnp.float32),
            pltpu.VMEM((chunk,), jnp.float32),
            pltpu.SemaphoreType.DMA,
        ],
    )(x2d, ridx, cidx)


def _gcn_body(pix_ref, l0_ref, l1_ref, w1_ref, b1_ref, w2_ref, b2_ref,
              fwt_ref, fb_ref, o_ref):
    w1 = w1_ref[...]
    hp = None
    for i in range(S):
        feat_i = jnp.concatenate(
            [pix_ref[:, i:i + 1], l0_ref[:, i:i + 1], l1_ref[:, i:i + 1]],
            axis=1)
        y = jnp.dot(feat_i, w1, preferred_element_type=jnp.float32)
        yb = y.astype(jnp.bfloat16).astype(jnp.float32)
        hp = yb if hp is None else hp + yb
    h = jnp.maximum(hp + b1_ref[...], 0.0)
    t = jnp.dot(h, w2_ref[...], preferred_element_type=jnp.float32)
    h2 = 20.0 * t.astype(jnp.bfloat16).astype(jnp.float32) + b2_ref[...]
    mx0 = jnp.max(h2, axis=0, keepdims=True)
    sh = h2 - mx0
    g = sh - jnp.log(jnp.sum(jnp.exp(sh), axis=0, keepdims=True))
    gfull = jnp.concatenate([g] * S, axis=1)
    fin = (jnp.dot(gfull, fwt_ref[...], preferred_element_type=jnp.float32)
           + fb_ref[...])
    mx1 = jnp.max(fin, axis=1, keepdims=True)
    ef = jnp.exp(fin - mx1)
    o_ref[...] = ef / jnp.sum(ef, axis=1, keepdims=True)


def _run_gcn(pix, l0, l1, gc1_w, gc1_b, gc2_w, gc2_b, fcf_wt, fcf_b):
    return pl.pallas_call(
        _gcn_body,
        out_shape=jax.ShapeDtypeStruct((B, NOUT), jnp.float32),
    )(pix, l0, l1, gc1_w, gc1_b, gc2_w, gc2_b, fcf_wt, fcf_b)


def kernel(x, m_g_params, gc1_w, gc1_b, gc2_w, gc2_b, fcf_w, fcf_b):
    mg = m_g_params.reshape(M, 6).T
    g, z = _rand_consts()
    idx, cidx, loc0, loc1, flp = _run_sample(mg, g, z)
    pix = _sc_gather(x.reshape(B * H, W), idx.reshape(-1), cidx.reshape(-1))
    o = _run_gcn(pix.reshape(B, S), loc0.reshape(B, S), loc1.reshape(B, S),
                 gc1_w, gc1_b.reshape(1, NHID), gc2_w,
                 gc2_b.reshape(1, NOUT), fcf_w.T, fcf_b.reshape(1, NOUT))
    return o, flp.reshape(B)

# --- scband reference (transcript-rebuilt; emitter-appended) ---
"""Pipeline reference for scband-graph-sampler-31628139168232 (READ-ONLY COPY).

The authoritative reference and input builder live on the scoring server;
editing this copy changes nothing except your own understanding.
"""

import jax, jax.numpy as jnp
import numpy as np

B = 1024
M = 10
NUM_SAMPLE = 20
C = 1
H = 224
W = 224
NFEAT = 3
NHID = 100
NOUT = 10


def setup_inputs(seed: int = 0):
    key = jax.random.key(seed)
    ks = jax.random.split(key, 8)
    x = jax.random.normal(ks[0], (B, C, H, W), dtype=jnp.float32)
    m_g_params = jax.random.normal(ks[1], (1, 6 * M), dtype=jnp.float32)
    s1 = 1.0 / np.sqrt(NHID)
    gc1_w = jax.random.uniform(ks[2], (NFEAT, NHID), minval=-s1, maxval=s1, dtype=jnp.float32)
    gc1_b = jax.random.uniform(ks[3], (NHID,), minval=-s1, maxval=s1, dtype=jnp.float32)
    s2 = 1.0 / np.sqrt(NOUT)
    gc2_w = jax.random.uniform(ks[4], (NHID, NOUT), minval=-s2, maxval=s2, dtype=jnp.float32)
    gc2_b = jax.random.uniform(ks[5], (NOUT,), minval=-s2, maxval=s2, dtype=jnp.float32)
    sf = 1.0 / np.sqrt(NOUT * NUM_SAMPLE)
    fcf_w = jax.random.uniform(ks[6], (NOUT, NOUT * NUM_SAMPLE), minval=-sf, maxval=sf, dtype=jnp.float32)
    fcf_b = jax.random.uniform(ks[7], (NOUT,), minval=-sf, maxval=sf, dtype=jnp.float32)
    return {"x": x, "m_g_params": m_g_params, "gc1_w": gc1_w, "gc1_b": gc1_b, "gc2_w": gc2_w, "gc2_b": gc2_b, "fcf_w": fcf_w, "fcf_b": fcf_b}


def reference(x, m_g_params, gc1_w, gc1_b, gc2_w, gc2_b, fcf_w, fcf_b):
    params = jnp.broadcast_to(m_g_params, (B, 6 * M))
    sp = jnp.stack(jnp.split(params, M, axis=1))  # [M, B, 6]
    pi = jax.nn.softmax(jnp.reshape(sp[:, :, 0], (B, M)), axis=-1)
    mu_x = jnp.reshape(sp[:, :, 1], (B, M))
    mu_y = jnp.reshape(sp[:, :, 2], (B, M))
    sig_x = jnp.reshape(sp[:, :, 3], (B, M))
    sig_y = jnp.reshape(sp[:, :, 4], (B, M))
    rho = jnp.reshape(sp[:, :, 5], (B, M))
    logits = jnp.log(pi)
    skey = jax.random.key(1234)
    barange = jnp.arange(B)
    samples = []
    full_log_prob = jnp.zeros((B,), jnp.float32)
    for i in range(NUM_SAMPLE):
        k1, k2 = jax.random.split(jax.random.fold_in(skey, i))
        pi_idx = jax.random.categorical(k1, logits, axis=-1)[:, None]
        mx = jnp.take_along_axis(mu_x, pi_idx, axis=1)[:, 0]
        my = jnp.take_along_axis(mu_y, pi_idx, axis=1)[:, 0]
        sx = jnp.exp(jnp.take_along_axis(sig_x, pi_idx, axis=1))[:, 0]
        sy = jnp.exp(jnp.take_along_axis(sig_y, pi_idx, axis=1))[:, 0]
        r = jnp.tanh(jnp.take_along_axis(rho, pi_idx, axis=1))[:, 0]
        mean = jnp.stack([mx, my], axis=-1)
        c01 = r * sx * sy
        cov = jnp.stack([jnp.stack([sx * sx, c01], axis=-1), jnp.stack([c01, sy * sy], axis=-1)], axis=-1)
        L = jnp.linalg.cholesky(cov)
        z = jax.random.normal(k2, (B, 2), dtype=jnp.float32)
        xs = jax.lax.stop_gradient(mean + jnp.einsum('bij,bj->bi', L, z))
        d = xs - mean
        y0 = d[:, 0] / L[:, 0, 0]
        y1 = (d[:, 1] - L[:, 1, 0] * y0) / L[:, 1, 1]
        logprob = -0.5 * (y0 * y0 + y1 * y1) - jnp.log(L[:, 0, 0]) - jnp.log(L[:, 1, 1]) - jnp.log(2.0 * jnp.pi)
        loc = jnp.tanh(xs)
        denorm = (0.5 * ((loc + 1.0) * H) - 0.1).astype(jnp.int32)
        pixel = x[barange, :, denorm[:, 0], denorm[:, 1]]  # [B, C] gather
        samples.append(jnp.concatenate([pixel, loc], axis=1))
        full_log_prob = full_log_prob + logprob
    out = jnp.stack(samples)  # [S, B, C+2]
    feat = jnp.reshape(out, (B, NUM_SAMPLE, NFEAT))
    adj = jnp.ones((NUM_SAMPLE, NUM_SAMPLE), jnp.float32)
    h = jnp.matmul(adj, jnp.matmul(feat, gc1_w)) + gc1_b
    h = jax.nn.relu(h)
    h = jnp.matmul(adj, jnp.matmul(h, gc2_w)) + gc2_b
    g = jax.nn.log_softmax(h, axis=0)  # torch F.log_softmax default dim for 3D input is 0
    g = jnp.reshape(g, (B, NOUT * NUM_SAMPLE))
    o = jax.nn.softmax(g @ fcf_w.T + fcf_b, axis=-1)
    return (o, full_log_prob)

if __name__ == "__main__":
    import jax
    _d = setup_inputs()
    print(jax.jit(kernel)(*tuple(_d.values())))

</pallas_src>

<mosaic_0001>
#map = affine_map<(d0, d1) -> (0, 0)>
#map1 = affine_map<(d0, d1) -> (0)>
module attributes {stable_mosaic.version = 14 : i64} {
  func.func @body(%arg0: i32, %arg1: i32, %arg2: memref<229376x224xf32, #tpu.memory_space<hbm>>, %arg3: memref<20480xi32, #tpu.memory_space<hbm>>, %arg4: memref<20480xi32, #tpu.memory_space<hbm>>, %arg5: memref<20480xf32, #tpu.memory_space<hbm>>, %arg6: memref<640xi32, #tpu.memory_space<vmem>>, %arg7: memref<640xi32, #tpu.memory_space<vmem>>, %arg8: memref<320x224xf32, #tpu.memory_space<vmem>>, %arg9: memref<640xf32, #tpu.memory_space<vmem>>, %arg10: memref<!tpu.dma_semaphore, #tpu.memory_space<semaphore_mem>>) attributes {dimension_semantics = [#tpu.dimension_semantics<core_parallel>, #tpu.dimension_semantics<subcore_parallel>], iteration_bounds = array<i64: 2, 16>, scalar_prefetch = 0 : i64, scratch_operands = 5 : i64, tpu.core_type = #tpu.core_type<sc_vector_subcore>, window_params = [{transform_indices = #map}, {transform_indices = #map1}, {transform_indices = #map1}, {transform_indices = #map1}]} {
    %mul3A = arith.constant 2 : i32
    %mul3A_0 = arith.muli %arg1, %mul3A : i32
    %add3A = arith.addi %mul3A_0, %arg0 : i32
    %mul3A_1 = arith.constant 640 : i32
    %mul3A_2 = arith.muli %add3A, %mul3A_1 : i32
    "tpu.region"() ({
      %run_scoped3A = tpu.sem_alloc : memref<!tpu.dma_semaphore, #tpu.memory_space<semaphore_mem>>
      %dma_start3A_377 = tpu.memref_slice %arg3[%mul3A_2] : memref<20480xi32, #tpu.memory_space<hbm>> -> memref<640xi32, #tpu.memory_space<hbm>>
      %dma_start3A_378 = tpu.memref_slice %arg3[%mul3A_2] : memref<20480xi32, #tpu.memory_space<hbm>> -> memref<640xi32, #tpu.memory_space<hbm>>
      tpu.enqueue_dma source(%dma_start3A_378 : memref<640xi32, #tpu.memory_space<hbm>>) target(%arg6 : memref<640xi32, #tpu.memory_space<vmem>>) target_semaphore(%run_scoped3A : memref<!tpu.dma_semaphore, #tpu.memory_space<semaphore_mem>>)
      %dma_wait3A_379 = tpu.memref_slice %arg3[%mul3A_2] : memref<20480xi32, #tpu.memory_space<hbm>> -> memref<640xi32, #tpu.memory_space<hbm>>
      %dma_wait3A_380 = tpu.memref_slice %arg3[%mul3A_2] : memref<20480xi32, #tpu.memory_space<hbm>> -> memref<640xi32, #tpu.memory_space<hbm>>
      tpu.wait_dma2 semaphore(%run_scoped3A : memref<!tpu.dma_semaphore, #tpu.memory_space<semaphore_mem>>) src(%dma_wait3A_380 : memref<640xi32, #tpu.memory_space<hbm>>) dst(%arg6 : memref<640xi32, #tpu.memory_space<vmem>>)
      tpu.yield
    }) : () -> ()
    "tpu.region"() ({
      %run_scoped3A = tpu.sem_alloc : memref<!tpu.dma_semaphore, #tpu.memory_space<semaphore_mem>>
      %dma_start3A_377 = tpu.memref_slice %arg4[%mul3A_2] : memref<20480xi32, #tpu.memory_space<hbm>> -> memref<640xi32, #tpu.memory_space<hbm>>
      %dma_start3A_378 = tpu.memref_slice %arg4[%mul3A_2] : memref<20480xi32, #tpu.memory_space<hbm>> -> memref<640xi32, #tpu.memory_space<hbm>>
      tpu.enqueue_dma source(%dma_start3A_378 : memref<640xi32, #tpu.memory_space<hbm>>) target(%arg7 : memref<640xi32, #tpu.memory_space<vmem>>) target_semaphore(%run_scoped3A : memref<!tpu.dma_semaphore, #tpu.memory_space<semaphore_mem>>)
      %dma_wait3A_379 = tpu.memref_slice %arg4[%mul3A_2] : memref<20480xi32, #tpu.memory_space<hbm>> -> memref<640xi32, #tpu.memory_space<hbm>>
      %dma_wait3A_380 = tpu.memref_slice %arg4[%mul3A_2] : memref<20480xi32, #tpu.memory_space<hbm>> -> memref<640xi32, #tpu.memory_space<hbm>>
      tpu.wait_dma2 semaphore(%run_scoped3A : memref<!tpu.dma_semaphore, #tpu.memory_space<semaphore_mem>>) src(%dma_wait3A_380 : memref<640xi32, #tpu.memory_space<hbm>>) dst(%arg7 : memref<640xi32, #tpu.memory_space<vmem>>)
      tpu.yield
    }) : () -> ()
    %dma_start3A = arith.constant 0 : i32
    %dma_start3A_3 = tpu.memref_slice %arg6[%dma_start3A] : memref<640xi32, #tpu.memory_space<vmem>> -> memref<320xi32, #tpu.memory_space<vmem>>
    %dma_start3A_4 = arith.constant 0 : i32
    %dma_start3A_5 = arith.constant 0 : i32
    %dma_start3A_6 = tpu.memref_slice %arg2[%dma_start3A_4, %dma_start3A_5] : memref<229376x224xf32, #tpu.memory_space<hbm>> -> memref<229376x224xf32, #tpu.memory_space<hbm>>
    tpu.enqueue_indirect_dma source(%dma_start3A_6 : memref<229376x224xf32, #tpu.memory_space<hbm>>) target(%arg8 : memref<320x224xf32, #tpu.memory_space<vmem>>) offsets(%dma_start3A_3 : memref<320xi32, #tpu.memory_space<vmem>>) semaphore(%arg10 : memref<!tpu.dma_semaphore, #tpu.memory_space<semaphore_mem>>)
    %dma_wait3A = arith.constant 0 : i32
    %dma_wait3A_7 = tpu.memref_slice %arg6[%dma_wait3A] : memref<640xi32, #tpu.memory_space<vmem>> -> memref<320xi32, #tpu.memory_space<vmem>>
    %dma_wait3A_8 = arith.constant 0 : i32
    %dma_wait3A_9 = arith.constant 0 : i32
    %dma_wait3A_10 = tpu.memref_slice %arg2[%dma_wait3A_8, %dma_wait3A_9] : memref<229376x224xf32, #tpu.memory_space<hbm>> -> memref<229376x224xf32, #tpu.memory_space<hbm>>
    tpu.wait_indirect_dma semaphore(%arg10 : memref<!tpu.dma_semaphore, #tpu.memory_space<semaphore_mem>>) src(%dma_wait3A_10 : memref<229376x224xf32, #tpu.memory_space<hbm>>) dst(%arg8 : memref<320x224xf32, #tpu.memory_space<vmem>>)
    %iota3A = tpu.iota {dimensions = array<i32: 0>} : vector<16xi32>
    %add3A_11 = arith.constant 0 : i32
    %add3A_12 = vector.broadcast %add3A_11 : i32 to vector<16xi32>
    %add3A_13 = arith.addi %iota3A, %add3A_12 : vector<16xi32>
    %get3A = arith.constant 0 : index
    %get3A_14 = tpu.vector_load %arg7[%get3A] {strides = array<i32>} : memref<640xi32, #tpu.memory_space<vmem>>, vector<16xi32>,
    %gather3A = tpu.vector_load_idx %arg8[%add3A_13, %get3A_14] : memref<320x224xf32, #tpu.memory_space<vmem>>[vector<16xi32>, vector<16xi32>], vector<16xf32>,
    %swap3A = arith.constant 0 : index
    %swap3A_15 = tpu.vector_load %arg9[%swap3A] {strides = array<i32>} : memref<640xf32, #tpu.memory_space<vmem>>, vector<16xf32>,
    tpu.vector_store %arg9[%swap3A], %gather3A {strides = array<i32>} : memref<640xf32, #tpu.memory_space<vmem>>, vector<16xf32>,
    %iota3A_16 = tpu.iota {dimensions = array<i32: 0>} : vector<16xi32>
    %add3A_17 = arith.constant 16 : i32
    %add3A_18 = vector.broadcast %add3A_17 : i32 to vector<16xi32>
    %add3A_19 = arith.addi %iota3A_16, %add3A_18 : vector<16xi32>
    %get3A_20 = arith.constant 16 : index
    %get3A_21 = tpu.vector_load %arg7[%get3A_20] {strides = array<i32>} : memref<640xi32, #tpu.memory_space<vmem>>, vector<16xi32>,
    %gather3A_22 = tpu.vector_load_idx %arg8[%add3A_19, %get3A_21] : memref<320x224xf32, #tpu.memory_space<vmem>>[vector<16xi32>, vector<16xi32>], vector<16xf32>,
    %swap3A_23 = arith.constant 16 : index
    %swap3A_24 = tpu.vector_load %arg9[%swap3A_23] {strides = array<i32>} : memref<640xf32, #tpu.memory_space<vmem>>, vector<16xf32>,
    tpu.vector_store %arg9[%swap3A_23], %gather3A_22 {strides = array<i32>} : memref<640xf32, #tpu.memory_space<vmem>>, vector<16xf32>,
    %iota3A_25 = tpu.iota {dimensions = array<i32: 0>} : vector<16xi32>
    %add3A_26 = arith.constant 32 : i32
    %add3A_27 = vector.broadcast %add3A_26 : i32 to vector<16xi32>
    %add3A_28 = arith.addi %iota3A_25, %add3A_27 : vector<16xi32>
    %get3A_29 = arith.constant 32 : index
    %get3A_30 = tpu.vector_load %arg7[%get3A_29] {strides = array<i32>} : memref<640xi32, #tpu.memory_space<vmem>>, vector<16xi32>,
    %gather3A_31 = tpu.vector_load_idx %arg8[%add3A_28, %get3A_30] : memref<320x224xf32, #tpu.memory_space<vmem>>[vector<16xi32>, vector<16xi32>], vector<16xf32>,
    %swap3A_32 = arith.constant 32 : index
    %swap3A_33 = tpu.vector_load %arg9[%swap3A_32] {strides = array<i32>} : memref<640xf32, #tpu.memory_space<vmem>>, vector<16xf32>,
    tpu.vector_store %arg9[%swap3A_32], %gather3A_31 {strides = array<i32>} : memref<640xf32, #tpu.memory_space<vmem>>, vector<16xf32>,
    %iota3A_34 = tpu.iota {dimensions = array<i32: 0>} : vector<16xi32>
    %add3A_35 = arith.constant 48 : i32
    %add3A_36 = vector.broadcast %add3A_35 : i32 to vector<16xi32>
    %add3A_37 = arith.addi %iota3A_34, %add3A_36 : vector<16xi32>
    %get3A_38 = arith.constant 48 : index
    %get3A_39 = tpu.vector_load %arg7[%get3A_38] {strides = array<i32>} : memref<640xi32, #tpu.memory_space<vmem>>, vector<16xi32>,
    %gather3A_40 = tpu.vector_load_idx %arg8[%add3A_37, %get3A_39] : memref<320x224xf32, #tpu.memory_space<vmem>>[vector<16xi32>, vector<16xi32>], vector<16xf32>,
    %swap3A_41 = arith.constant 48 : index
    %swap3A_42 = tpu.vector_load %arg9[%swap3A_41] {strides = array<i32>} : memref<640xf32, #tpu.memory_space<vmem>>, vector<16xf32>,
    tpu.vector_store %arg9[%swap3A_41], %gather3A_40 {strides = array<i32>} : memref<640xf32, #tpu.memory_space<vmem>>, vector<16xf32>,
    %iota3A_43 = tpu.iota {dimensions = array<i32: 0>} : vector<16xi32>
    %add3A_44 = arith.constant 64 : i32
    %add3A_45 = vector.broadcast %add3A_44 : i32 to vector<16xi32>
    %add3A_46 = arith.addi %iota3A_43, %add3A_45 : vector<16xi32>
    %get3A_47 = arith.constant 64 : index
    %get3A_48 = tpu.vector_load %arg7[%get3A_47] {strides = array<i32>} : memref<640xi32, #tpu.memory_space<vmem>>, vector<16xi32>,
    %gather3A_49 = tpu.vector_load_idx %arg8[%add3A_46, %get3A_48] : memref<320x224xf32, #tpu.memory_space<vmem>>[vector<16xi32>, vector<16xi32>], vector<16xf32>,
    %swap3A_50 = arith.constant 64 : index
    %swap3A_51 = tpu.vector_load %arg9[%swap3A_50] {strides = array<i32>} : memref<640xf32, #tpu.memory_space<vmem>>, vector<16xf32>,
    tpu.vector_store %arg9[%swap3A_50], %gather3A_49 {strides = array<i32>} : memref<640xf32, #tpu.memory_space<vmem>>, vector<16xf32>,
    %iota3A_52 = tpu.iota {dimensions = array<i32: 0>} : vector<16xi32>
    %add3A_53 = arith.constant 80 : i32
    %add3A_54 = vector.broadcast %add3A_53 : i32 to vector<16xi32>
    %add3A_55 = arith.addi %iota3A_52, %add3A_54 : vector<16xi32>
    %get3A_56 = arith.constant 80 : index
    %get3A_57 = tpu.vector_load %arg7[%get3A_56] {strides = array<i32>} : memref<640xi32, #tpu.memory_space<vmem>>, vector<16xi32>,
    %gather3A_58 = tpu.vector_load_idx %arg8[%add3A_55, %get3A_57] : memref<320x224xf32, #tpu.memory_space<vmem>>[vector<16xi32>, vector<16xi32>], vector<16xf32>,
    %swap3A_59 = arith.constant 80 : index
    %swap3A_60 = tpu.vector_load %arg9[%swap3A_59] {strides = array<i32>} : memref<640xf32, #tpu.memory_space<vmem>>, vector<16xf32>,
    tpu.vector_store %arg9[%swap3A_59], %gather3A_58 {strides = array<i32>} : memref<640xf32, #tpu.memory_space<vmem>>, vector<16xf32>,
    %iota3A_61 = tpu.iota {dimensions = array<i32: 0>} : vector<16xi32>
    %add3A_62 = arith.constant 96 : i32
    %add3A_63 = vector.broadcast %add3A_62 : i32 to vector<16xi32>
    %add3A_64 = arith.addi %iota3A_61, %add3A_63 : vector<16xi32>
    %get3A_65 = arith.constant 96 : index
    %get3A_66 = tpu.vector_load %arg7[%get3A_65] {strides = array<i32>} : memref<640xi32, #tpu.memory_space<vmem>>, vector<16xi32>,
    %gather3A_67 = tpu.vector_load_idx %arg8[%add3A_64, %get3A_66] : memref<320x224xf32, #tpu.memory_space<vmem>>[vector<16xi32>, vector<16xi32>], vector<16xf32>,
    %swap3A_68 = arith.constant 96 : index
    %swap3A_69 = tpu.vector_load %arg9[%swap3A_68] {strides = array<i32>} : memref<640xf32, #tpu.memory_space<vmem>>, vector<16xf32>,
    tpu.vector_store %arg9[%swap3A_68], %gather3A_67 {strides = array<i32>} : memref<640xf32, #tpu.memory_space<vmem>>, vector<16xf32>,
    %iota3A_70 = tpu.iota {dimensions = array<i32: 0>} : vector<16xi32>
    %add3A_71 = arith.constant 112 : i32
    %add3A_72 = vector.broadcast %add3A_71 : i32 to vector<16xi32>
    %add3A_73 = arith.addi %iota3A_70, %add3A_72 : vector<16xi32>
    %get3A_74 = arith.constant 112 : index
    %get3A_75 = tpu.vector_load %arg7[%get3A_74] {strides = array<i32>} : memref<640xi32, #tpu.memory_space<vmem>>, vector<16xi32>,
    %gather3A_76 = tpu.vector_load_idx %arg8[%add3A_73, %get3A_75] : memref<320x224xf32, #tpu.memory_space<vmem>>[vector<16xi32>, vector<16xi32>], vector<16xf32>,
    %swap3A_77 = arith.constant 112 : index
    %swap3A_78 = tpu.vector_load %arg9[%swap3A_77] {strides = array<i32>} : memref<640xf32, #tpu.memory_space<vmem>>, vector<16xf32>,
    tpu.vector_store %arg9[%swap3A_77], %gather3A_76 {strides = array<i32>} : memref<640xf32, #tpu.memory_space<vmem>>, vector<16xf32>,
    %iota3A_79 = tpu.iota {dimensions = array<i32: 0>} : vector<16xi32>
    %add3A_80 = arith.constant 128 : i32
    %add3A_81 = vector.broadcast %add3A_80 : i32 to vector<16xi32>
    %add3A_82 = arith.addi %iota3A_79, %add3A_81 : vector<16xi32>
    %get3A_83 = arith.constant 128 : index
    %get3A_84 = tpu.vector_load %arg7[%get3A_83] {strides = array<i32>} : memref<640xi32, #tpu.memory_space<vmem>>, vector<16xi32>,
    %gather3A_85 = tpu.vector_load_idx %arg8[%add3A_82, %get3A_84] : memref<320x224xf32, #tpu.memory_space<vmem>>[vector<16xi32>, vector<16xi32>], vector<16xf32>,
    %swap3A_86 = arith.constant 128 : index
    %swap3A_87 = tpu.vector_load %arg9[%swap3A_86] {strides = array<i32>} : memref<640xf32, #tpu.memory_space<vmem>>, vector<16xf32>,
    tpu.vector_store %arg9[%swap3A_86], %gather3A_85 {strides = array<i32>} : memref<640xf32, #tpu.memory_space<vmem>>, vector<16xf32>,
    %iota3A_88 = tpu.iota {dimensions = array<i32: 0>} : vector<16xi32>
    %add3A_89 = arith.constant 144 : i32
    %add3A_90 = vector.broadcast %add3A_89 : i32 to vector<16xi32>
    %add3A_91 = arith.addi %iota3A_88, %add3A_90 : vector<16xi32>
    %get3A_92 = arith.constant 144 : index
    %get3A_93 = tpu.vector_load %arg7[%get3A_92] {strides = array<i32>} : memref<640xi32, #tpu.memory_space<vmem>>, vector<16xi32>,
    %gather3A_94 = tpu.vector_load_idx %arg8[%add3A_91, %get3A_93] : memref<320x224xf32, #tpu.memory_space<vmem>>[vector<16xi32>, vector<16xi32>], vector<16xf32>,
    %swap3A_95 = arith.constant 144 : index
    %swap3A_96 = tpu.vector_load %arg9[%swap3A_95] {strides = array<i32>} : memref<640xf32, #tpu.memory_space<vmem>>, vector<16xf32>,
    tpu.vector_store %arg9[%swap3A_95], %gather3A_94 {strides = array<i32>} : memref<640xf32, #tpu.memory_space<vmem>>, vector<16xf32>,
    %iota3A_97 = tpu.iota {dimensions = array<i32: 0>} : vector<16xi32>
    %add3A_98 = arith.constant 160 : i32
    %add3A_99 = vector.broadcast %add3A_98 : i32 to vector<16xi32>
    %add3A_100 = arith.addi %iota3A_97, %add3A_99 : vector<16xi32>
    %get3A_101 = arith.constant 160 : index
    %get3A_102 = tpu.vector_load %arg7[%get3A_101] {strides = array<i32>} : memref<640xi32, #tpu.memory_space<vmem>>, vector<16xi32>,
    %gather3A_103 = tpu.vector_load_idx %arg8[%add3A_100, %get3A_102] : memref<320x224xf32, #tpu.memory_space<vmem>>[vector<16xi32>, vector<16xi32>], vector<16xf32>,
    %swap3A_104 = arith.constant 160 : index
    %swap3A_105 = tpu.vector_load %arg9[%swap3A_104] {strides = array<i32>} : memref<640xf32, #tpu.memory_space<vmem>>, vector<16xf32>,
    tpu.vector_store %arg9[%swap3A_104], %gather3A_103 {strides = array<i32>} : memref<640xf32, #tpu.memory_space<vmem>>, vector<16xf32>,
    %iota3A_106 = tpu.iota {dimensions = array<i32: 0>} : vector<16xi32>
    %add3A_107 = arith.constant 176 : i32
    %add3A_108 = vector.broadcast %add3A_107 : i32 to vector<16xi32>
    %add3A_109 = arith.addi %iota3A_106, %add3A_108 : vector<16xi32>
    %get3A_110 = arith.constant 176 : index
    %get3A_111 = tpu.vector_load %arg7[%get3A_110] {strides = array<i32>} : memref<640xi32, #tpu.memory_space<vmem>>, vector<16xi32>,
    %gather3A_112 = tpu.vector_load_idx %arg8[%add3A_109, %get3A_111] : memref<320x224xf32, #tpu.memory_space<vmem>>[vector<16xi32>, vector<16xi32>], vector<16xf32>,
    %swap3A_113 = arith.constant 176 : index
    %swap3A_114 = tpu.vector_load %arg9[%swap3A_113] {strides = array<i32>} : memref<640xf32, #tpu.memory_space<vmem>>, vector<16xf32>,
    tpu.vector_store %arg9[%swap3A_113], %gather3A_112 {strides = array<i32>} : memref<640xf32, #tpu.memory_space<vmem>>, vector<16xf32>,
    %iota3A_115 = tpu.iota {dimensions = array<i32: 0>} : vector<16xi32>
    %add3A_116 = arith.constant 192 : i32
    %add3A_117 = vector.broadcast %add3A_116 : i32 to vector<16xi32>
    %add3A_118 = arith.addi %iota3A_115, %add3A_117 : vector<16xi32>
    %get3A_119 = arith.constant 192 : index
    %get3A_120 = tpu.vector_load %arg7[%get3A_119] {strides = array<i32>} : memref<640xi32, #tpu.memory_space<vmem>>, vector<16xi32>,
    %gather3A_121 = tpu.vector_load_idx %arg8[%add3A_118, %get3A_120] : memref<320x224xf32, #tpu.memory_space<vmem>>[vector<16xi32>, vector<16xi32>], vector<16xf32>,
    %swap3A_122 = arith.constant 192 : index
    %swap3A_123 = tpu.vector_load %arg9[%swap3A_122] {strides = array<i32>} : memref<640xf32, #tpu.memory_space<vmem>>, vector<16xf32>,
    tpu.vector_store %arg9[%swap3A_122], %gather3A_121 {strides = array<i32>} : memref<640xf32, #tpu.memory_space<vmem>>, vector<16xf32>,
    %iota3A_124 = tpu.iota {dimensions = array<i32: 0>} : vector<16xi32>
    %add3A_125 = arith.constant 208 : i32
    %add3A_126 = vector.broadcast %add3A_125 : i32 to vector<16xi32>
    %add3A_127 = arith.addi %iota3A_124, %add3A_126 : vector<16xi32>
    %get3A_128 = arith.constant 208 : index
    %get3A_129 = tpu.vector_load %arg7[%get3A_128] {strides = array<i32>} : memref<640xi32, #tpu.memory_space<vmem>>, vector<16xi32>,
    %gather3A_130 = tpu.vector_load_idx %arg8[%add3A_127, %get3A_129] : memref<320x224xf32, #tpu.memory_space<vmem>>[vector<16xi32>, vector<16xi32>], vector<16xf32>,
    %swap3A_131 = arith.constant 208 : index
    %swap3A_132 = tpu.vector_load %arg9[%swap3A_131] {strides = array<i32>} : memref<640xf32, #tpu.memory_space<vmem>>, vector<16xf32>,
    tpu.vector_store %arg9[%swap3A_131], %gather3A_130 {strides = array<i32>} : memref<640xf32, #tpu.memory_space<vmem>>, vector<16xf32>,
    %iota3A_133 = tpu.iota {dimensions = array<i32: 0>} : vector<16xi32>
    %add3A_134 = arith.constant 224 : i32
    %add3A_135 = vector.broadcast %add3A_134 : i32 to vector<16xi32>
    %add3A_136 = arith.addi %iota3A_133, %add3A_135 : vector<16xi32>
    %get3A_137 = arith.constant 224 : index
    %get3A_138 = tpu.vector_load %arg7[%get3A_137] {strides = array<i32>} : memref<640xi32, #tpu.memory_space<vmem>>, vector<16xi32>,
    %gather3A_139 = tpu.vector_load_idx %arg8[%add3A_136, %get3A_138] : memref<320x224xf32, #tpu.memory_space<vmem>>[vector<16xi32>, vector<16xi32>], vector<16xf32>,
    %swap3A_140 = arith.constant 224 : index
    %swap3A_141 = tpu.vector_load %arg9[%swap3A_140] {strides = array<i32>} : memref<640xf32, #tpu.memory_space<vmem>>, vector<16xf32>,
    tpu.vector_store %arg9[%swap3A_140], %gather3A_139 {strides = array<i32>} : memref<640xf32, #tpu.memory_space<vmem>>, vector<16xf32>,
    %iota3A_142 = tpu.iota {dimensions = array<i32: 0>} : vector<16xi32>
    %add3A_143 = arith.constant 240 : i32
    %add3A_144 = vector.broadcast %add3A_143 : i32 to vector<16xi32>
    %add3A_145 = arith.addi %iota3A_142, %add3A_144 : vector<16xi32>
    %get3A_146 = arith.constant 240 : index
    %get3A_147 = tpu.vector_load %arg7[%get3A_146] {strides = array<i32>} : memref<640xi32, #tpu.memory_space<vmem>>, vector<16xi32>,
    %gather3A_148 = tpu.vector_load_idx %arg8[%add3A_145, %get3A_147] : memref<320x224xf32, #tpu.memory_space<vmem>>[vector<16xi32>, vector<16xi32>], vector<16xf32>,
    %swap3A_149 = arith.constant 240 : index
    %swap3A_150 = tpu.vector_load %arg9[%swap3A_149] {strides = array<i32>} : memref<640xf32, #tpu.memory_space<vmem>>, vector<16xf32>,
    tpu.vector_store %arg9[%swap3A_149], %gather3A_148 {strides = array<i32>} : memref<640xf32, #tpu.memory_space<vmem>>, vector<16xf32>,
    %iota3A_151 = tpu.iota {dimensions = array<i32: 0>} : vector<16xi32>
    %add3A_152 = arith.constant 256 : i32
    %add3A_153 = vector.broadcast %add3A_152 : i32 to vector<16xi32>
    %add3A_154 = arith.addi %iota3A_151, %add3A_153 : vector<16xi32>
    %get3A_155 = arith.constant 256 : index
    %get3A_156 = tpu.vector_load %arg7[%get3A_155] {strides = array<i32>} : memref<640xi32, #tpu.memory_space<vmem>>, vector<16xi32>,
    %gather3A_157 = tpu.vector_load_idx %arg8[%add3A_154, %get3A_156] : memref<320x224xf32, #tpu.memory_space<vmem>>[vector<16xi32>, vector<16xi32>], vector<16xf32>,
    %swap3A_158 = arith.constant 256 : index
    %swap3A_159 = tpu.vector_load %arg9[%swap3A_158] {strides = array<i32>} : memref<640xf32, #tpu.memory_space<vmem>>, vector<16xf32>,
    tpu.vector_store %arg9[%swap3A_158], %gather3A_157 {strides = array<i32>} : memref<640xf32, #tpu.memory_space<vmem>>, vector<16xf32>,
    %iota3A_160 = tpu.iota {dimensions = array<i32: 0>} : vector<16xi32>
    %add3A_161 = arith.constant 272 : i32
    %add3A_162 = vector.broadcast %add3A_161 : i32 to vector<16xi32>
    %add3A_163 = arith.addi %iota3A_160, %add3A_162 : vector<16xi32>
    %get3A_164 = arith.constant 272 : index
    %get3A_165 = tpu.vector_load %arg7[%get3A_164] {strides = array<i32>} : memref<640xi32, #tpu.memory_space<vmem>>, vector<16xi32>,
    %gather3A_166 = tpu.vector_load_idx %arg8[%add3A_163, %get3A_165] : memref<320x224xf32, #tpu.memory_space<vmem>>[vector<16xi32>, vector<16xi32>], vector<16xf32>,
    %swap3A_167 = arith.constant 272 : index
    %swap3A_168 = tpu.vector_load %arg9[%swap3A_167] {strides = array<i32>} : memref<640xf32, #tpu.memory_space<vmem>>, vector<16xf32>,
    tpu.vector_store %arg9[%swap3A_167], %gather3A_166 {strides = array<i32>} : memref<640xf32, #tpu.memory_space<vmem>>, vector<16xf32>,
    %iota3A_169 = tpu.iota {dimensions = array<i32: 0>} : vector<16xi32>
    %add3A_170 = arith.constant 288 : i32
    %add3A_171 = vector.broadcast %add3A_170 : i32 to vector<16xi32>
    %add3A_172 = arith.addi %iota3A_169, %add3A_171 : vector<16xi32>
    %get3A_173 = arith.constant 288 : index
    %get3A_174 = tpu.vector_load %arg7[%get3A_173] {strides = array<i32>} : memref<640xi32, #tpu.memory_space<vmem>>, vector<16xi32>,
    %gather3A_175 = tpu.vector_load_idx %arg8[%add3A_172, %get3A_174] : memref<320x224xf32, #tpu.memory_space<vmem>>[vector<16xi32>, vector<16xi32>], vector<16xf32>,
    %swap3A_176 = arith.constant 288 : index
    %swap3A_177 = tpu.vector_load %arg9[%swap3A_176] {strides = array<i32>} : memref<640xf32, #tpu.memory_space<vmem>>, vector<16xf32>,
    tpu.vector_store %arg9[%swap3A_176], %gather3A_175 {strides = array<i32>} : memref<640xf32, #tpu.memory_space<vmem>>, vector<16xf32>,
    %iota3A_178 = tpu.iota {dimensions = array<i32: 0>} : vector<16xi32>
    %add3A_179 = arith.constant 304 : i32
    %add3A_180 = vector.broadcast %add3A_179 : i32 to vector<16xi32>
    %add3A_181 = arith.addi %iota3A_178, %add3A_180 : vector<16xi32>
    %get3A_182 = arith.constant 304 : index
    %get3A_183 = tpu.vector_load %arg7[%get3A_182] {strides = array<i32>} : memref<640xi32, #tpu.memory_space<vmem>>, vector<16xi32>,
    %gather3A_184 = tpu.vector_load_idx %arg8[%add3A_181, %get3A_183] : memref<320x224xf32, #tpu.memory_space<vmem>>[vector<16xi32>, vector<16xi32>], vector<16xf32>,
    %swap3A_185 = arith.constant 304 : index
    %swap3A_186 = tpu.vector_load %arg9[%swap3A_185] {strides = array<i32>} : memref<640xf32, #tpu.memory_space<vmem>>, vector<16xf32>,
    tpu.vector_store %arg9[%swap3A_185], %gather3A_184 {strides = array<i32>} : memref<640xf32, #tpu.memory_space<vmem>>, vector<16xf32>,
    %dma_start3A_187 = arith.constant 320 : i32
    %dma_start3A_188 = tpu.memref_slice %arg6[%dma_start3A_187] : memref<640xi32, #tpu.memory_space<vmem>> -> memref<320xi32, #tpu.memory_space<vmem>>
    %dma_start3A_189 = arith.constant 0 : i32
    %dma_start3A_190 = arith.constant 0 : i32
    %dma_start3A_191 = tpu.memref_slice %arg2[%dma_start3A_189, %dma_start3A_190] : memref<229376x224xf32, #tpu.memory_space<hbm>> -> memref<229376x224xf32, #tpu.memory_space<hbm>>
    tpu.enqueue_indirect_dma source(%dma_start3A_191 : memref<229376x224xf32, #tpu.memory_space<hbm>>) target(%arg8 : memref<320x224xf32, #tpu.memory_space<vmem>>) offsets(%dma_start3A_188 : memref<320xi32, #tpu.memory_space<vmem>>) semaphore(%arg10 : memref<!tpu.dma_semaphore, #tpu.memory_space<semaphore_mem>>)
    %dma_wait3A_192 = arith.constant 320 : i32
    %dma_wait3A_193 = tpu.memref_slice %arg6[%dma_wait3A_192] : memref<640xi32, #tpu.memory_space<vmem>> -> memref<320xi32, #tpu.memory_space<vmem>>
    %dma_wait3A_194 = arith.constant 0 : i32
    %dma_wait3A_195 = arith.constant 0 : i32
    %dma_wait3A_196 = tpu.memref_slice %arg2[%dma_wait3A_194, %dma_wait3A_195] : memref<229376x224xf32, #tpu.memory_space<hbm>> -> memref<229376x224xf32, #tpu.memory_space<hbm>>
    tpu.wait_indirect_dma semaphore(%arg10 : memref<!tpu.dma_semaphore, #tpu.memory_space<semaphore_mem>>) src(%dma_wait3A_196 : memref<229376x224xf32, #tpu.memory_space<hbm>>) dst(%arg8 : memref<320x224xf32, #tpu.memory_space<vmem>>)
    %iota3A_197 = tpu.iota {dimensions = array<i32: 0>} : vector<16xi32>
    %add3A_198 = arith.constant 0 : i32
    %add3A_199 = vector.broadcast %add3A_198 : i32 to vector<16xi32>
    %add3A_200 = arith.addi %iota3A_197, %add3A_199 : vector<16xi32>
    %get3A_201 = arith.constant 320 : index
    %get3A_202 = tpu.vector_load %arg7[%get3A_201] {strides = array<i32>} : memref<640xi32, #tpu.memory_space<vmem>>, vector<16xi32>,
    %gather3A_203 = tpu.vector_load_idx %arg8[%add3A_200, %get3A_202] : memref<320x224xf32, #tpu.memory_space<vmem>>[vector<16xi32>, vector<16xi32>], vector<16xf32>,
    %swap3A_204 = arith.constant 320 : index
    %swap3A_205 = tpu.vector_load %arg9[%swap3A_204] {strides = array<i32>} : memref<640xf32, #tpu.memory_space<vmem>>, vector<16xf32>,
    tpu.vector_store %arg9[%swap3A_204], %gather3A_203 {strides = array<i32>} : memref<640xf32, #tpu.memory_space<vmem>>, vector<16xf32>,
    %iota3A_206 = tpu.iota {dimensions = array<i32: 0>} : vector<16xi32>
    %add3A_207 = arith.constant 16 : i32
    %add3A_208 = vector.broadcast %add3A_207 : i32 to vector<16xi32>
    %add3A_209 = arith.addi %iota3A_206, %add3A_208 : vector<16xi32>
    %get3A_210 = arith.constant 336 : index
    %get3A_211 = tpu.vector_load %arg7[%get3A_210] {strides = array<i32>} : memref<640xi32, #tpu.memory_space<vmem>>, vector<16xi32>,
    %gather3A_212 = tpu.vector_load_idx %arg8[%add3A_209, %get3A_211] : memref<320x224xf32, #tpu.memory_space<vmem>>[vector<16xi32>, vector<16xi32>], vector<16xf32>,
    %swap3A_213 = arith.constant 336 : index
    %swap3A_214 = tpu.vector_load %arg9[%swap3A_213] {strides = array<i32>} : memref<640xf32, #tpu.memory_space<vmem>>, vector<16xf32>,
    tpu.vector_store %arg9[%swap3A_213], %gather3A_212 {strides = array<i32>} : memref<640xf32, #tpu.memory_space<vmem>>, vector<16xf32>,
    %iota3A_215 = tpu.iota {dimensions = array<i32: 0>} : vector<16xi32>
    %add3A_216 = arith.constant 32 : i32
    %add3A_217 = vector.broadcast %add3A_216 : i32 to vector<16xi32>
    %add3A_218 = arith.addi %iota3A_215, %add3A_217 : vector<16xi32>
    %get3A_219 = arith.constant 352 : index
    %get3A_220 = tpu.vector_load %arg7[%get3A_219] {strides = array<i32>} : memref<640xi32, #tpu.memory_space<vmem>>, vector<16xi32>,
    %gather3A_221 = tpu.vector_load_idx %arg8[%add3A_218, %get3A_220] : memref<320x224xf32, #tpu.memory_space<vmem>>[vector<16xi32>, vector<16xi32>], vector<16xf32>,
    %swap3A_222 = arith.constant 352 : index
    %swap3A_223 = tpu.vector_load %arg9[%swap3A_222] {strides = array<i32>} : memref<640xf32, #tpu.memory_space<vmem>>, vector<16xf32>,
    tpu.vector_store %arg9[%swap3A_222], %gather3A_221 {strides = array<i32>} : memref<640xf32, #tpu.memory_space<vmem>>, vector<16xf32>,
    %iota3A_224 = tpu.iota {dimensions = array<i32: 0>} : vector<16xi32>
    %add3A_225 = arith.constant 48 : i32
    %add3A_226 = vector.broadcast %add3A_225 : i32 to vector<16xi32>
    %add3A_227 = arith.addi %iota3A_224, %add3A_226 : vector<16xi32>
    %get3A_228 = arith.constant 368 : index
    %get3A_229 = tpu.vector_load %arg7[%get3A_228] {strides = array<i32>} : memref<640xi32, #tpu.memory_space<vmem>>, vector<16xi32>,
    %gather3A_230 = tpu.vector_load_idx %arg8[%add3A_227, %get3A_229] : memref<320x224xf32, #tpu.memory_space<vmem>>[vector<16xi32>, vector<16xi32>], vector<16xf32>,
    %swap3A_231 = arith.constant 368 : index
    %swap3A_232 = tpu.vector_load %arg9[%swap3A_231] {strides = array<i32>} : memref<640xf32, #tpu.memory_space<vmem>>, vector<16xf32>,
    tpu.vector_store %arg9[%swap3A_231], %gather3A_230 {strides = array<i32>} : memref<640xf32, #tpu.memory_space<vmem>>, vector<16xf32>,
    %iota3A_233 = tpu.iota {dimensions = array<i32: 0>} : vector<16xi32>
    %add3A_234 = arith.constant 64 : i32
    %add3A_235 = vector.broadcast %add3A_234 : i32 to vector<16xi32>
    %add3A_236 = arith.addi %iota3A_233, %add3A_235 : vector<16xi32>
    %get3A_237 = arith.constant 384 : index
    %get3A_238 = tpu.vector_load %arg7[%get3A_237] {strides = array<i32>} : memref<640xi32, #tpu.memory_space<vmem>>, vector<16xi32>,
    %gather3A_239 = tpu.vector_load_idx %arg8[%add3A_236, %get3A_238] : memref<320x224xf32, #tpu.memory_space<vmem>>[vector<16xi32>, vector<16xi32>], vector<16xf32>,
    %swap3A_240 = arith.constant 384 : index
    %swap3A_241 = tpu.vector_load %arg9[%swap3A_240] {strides = array<i32>} : memref<640xf32, #tpu.memory_space<vmem>>, vector<16xf32>,
    tpu.vector_store %arg9[%swap3A_240], %gather3A_239 {strides = array<i32>} : memref<640xf32, #tpu.memory_space<vmem>>, vector<16xf32>,
    %iota3A_242 = tpu.iota {dimensions = array<i32: 0>} : vector<16xi32>
    %add3A_243 = arith.constant 80 : i32
    %add3A_244 = vector.broadcast %add3A_243 : i32 to vector<16xi32>
    %add3A_245 = arith.addi %iota3A_242, %add3A_244 : vector<16xi32>
    %get3A_246 = arith.constant 400 : index
    %get3A_247 = tpu.vector_load %arg7[%get3A_246] {strides = array<i32>} : memref<640xi32, #tpu.memory_space<vmem>>, vector<16xi32>,
    %gather3A_248 = tpu.vector_load_idx %arg8[%add3A_245, %get3A_247] : memref<320x224xf32, #tpu.memory_space<vmem>>[vector<16xi32>, vector<16xi32>], vector<16xf32>,
    %swap3A_249 = arith.constant 400 : index
    %swap3A_250 = tpu.vector_load %arg9[%swap3A_249] {strides = array<i32>} : memref<640xf32, #tpu.memory_space<vmem>>, vector<16xf32>,
    tpu.vector_store %arg9[%swap3A_249], %gather3A_248 {strides = array<i32>} : memref<640xf32, #tpu.memory_space<vmem>>, vector<16xf32>,
    %iota3A_251 = tpu.iota {dimensions = array<i32: 0>} : vector<16xi32>
    %add3A_252 = arith.constant 96 : i32
    %add3A_253 = vector.broadcast %add3A_252 : i32 to vector<16xi32>
    %add3A_254 = arith.addi %iota3A_251, %add3A_253 : vector<16xi32>
    %get3A_255 = arith.constant 416 : index
    %get3A_256 = tpu.vector_load %arg7[%get3A_255] {strides = array<i32>} : memref<640xi32, #tpu.memory_space<vmem>>, vector<16xi32>,
    %gather3A_257 = tpu.vector_load_idx %arg8[%add3A_254, %get3A_256] : memref<320x224xf32, #tpu.memory_space<vmem>>[vector<16xi32>, vector<16xi32>], vector<16xf32>,
    %swap3A_258 = arith.constant 416 : index
    %swap3A_259 = tpu.vector_load %arg9[%swap3A_258] {strides = array<i32>} : memref<640xf32, #tpu.memory_space<vmem>>, vector<16xf32>,
    tpu.vector_store %arg9[%swap3A_258], %gather3A_257 {strides = array<i32>} : memref<640xf32, #tpu.memory_space<vmem>>, vector<16xf32>,
    %iota3A_260 = tpu.iota {dimensions = array<i32: 0>} : vector<16xi32>
    %add3A_261 = arith.constant 112 : i32
    %add3A_262 = vector.broadcast %add3A_261 : i32 to vector<16xi32>
    %add3A_263 = arith.addi %iota3A_260, %add3A_262 : vector<16xi32>
    %get3A_264 = arith.constant 432 : index
    %get3A_265 = tpu.vector_load %arg7[%get3A_264] {strides = array<i32>} : memref<640xi32, #tpu.memory_space<vmem>>, vector<16xi32>,
    %gather3A_266 = tpu.vector_load_idx %arg8[%add3A_263, %get3A_265] : memref<320x224xf32, #tpu.memory_space<vmem>>[vector<16xi32>, vector<16xi32>], vector<16xf32>,
    %swap3A_267 = arith.constant 432 : index
    %swap3A_268 = tpu.vector_load %arg9[%swap3A_267] {strides = array<i32>} : memref<640xf32, #tpu.memory_space<vmem>>, vector<16xf32>,
    tpu.vector_store %arg9[%swap3A_267], %gather3A_266 {strides = array<i32>} : memref<640xf32, #tpu.memory_space<vmem>>, vector<16xf32>,
    %iota3A_269 = tpu.iota {dimensions = array<i32: 0>} : vector<16xi32>
    %add3A_270 = arith.constant 128 : i32
    %add3A_271 = vector.broadcast %add3A_270 : i32 to vector<16xi32>
    %add3A_272 = arith.addi %iota3A_269, %add3A_271 : vector<16xi32>
    %get3A_273 = arith.constant 448 : index
    %get3A_274 = tpu.vector_load %arg7[%get3A_273] {strides = array<i32>} : memref<640xi32, #tpu.memory_space<vmem>>, vector<16xi32>,
    %gather3A_275 = tpu.vector_load_idx %arg8[%add3A_272, %get3A_274] : memref<320x224xf32, #tpu.memory_space<vmem>>[vector<16xi32>, vector<16xi32>], vector<16xf32>,
    %swap3A_276 = arith.constant 448 : index
    %swap3A_277 = tpu.vector_load %arg9[%swap3A_276] {strides = array<i32>} : memref<640xf32, #tpu.memory_space<vmem>>, vector<16xf32>,
    tpu.vector_store %arg9[%swap3A_276], %gather3A_275 {strides = array<i32>} : memref<640xf32, #tpu.memory_space<vmem>>, vector<16xf32>,
    %iota3A_278 = tpu.iota {dimensions = array<i32: 0>} : vector<16xi32>
    %add3A_279 = arith.constant 144 : i32
    %add3A_280 = vector.broadcast %add3A_279 : i32 to vector<16xi32>
    %add3A_281 = arith.addi %iota3A_278, %add3A_280 : vector<16xi32>
    %get3A_282 = arith.constant 464 : index
    %get3A_283 = tpu.vector_load %arg7[%get3A_282] {strides = array<i32>} : memref<640xi32, #tpu.memory_space<vmem>>, vector<16xi32>,
    %gather3A_284 = tpu.vector_load_idx %arg8[%add3A_281, %get3A_283] : memref<320x224xf32, #tpu.memory_space<vmem>>[vector<16xi32>, vector<16xi32>], vector<16xf32>,
    %swap3A_285 = arith.constant 464 : index
    %swap3A_286 = tpu.vector_load %arg9[%swap3A_285] {strides = array<i32>} : memref<640xf32, #tpu.memory_space<vmem>>, vector<16xf32>,
    tpu.vector_store %arg9[%swap3A_285], %gather3A_284 {strides = array<i32>} : memref<640xf32, #tpu.memory_space<vmem>>, vector<16xf32>,
    %iota3A_287 = tpu.iota {dimensions = array<i32: 0>} : vector<16xi32>
    %add3A_288 = arith.constant 160 : i32
    %add3A_289 = vector.broadcast %add3A_288 : i32 to vector<16xi32>
    %add3A_290 = arith.addi %iota3A_287, %add3A_289 : vector<16xi32>
    %get3A_291 = arith.constant 480 : index
    %get3A_292 = tpu.vector_load %arg7[%get3A_291] {strides = array<i32>} : memref<640xi32, #tpu.memory_space<vmem>>, vector<16xi32>,
    %gather3A_293 = tpu.vector_load_idx %arg8[%add3A_290, %get3A_292] : memref<320x224xf32, #tpu.memory_space<vmem>>[vector<16xi32>, vector<16xi32>], vector<16xf32>,
    %swap3A_294 = arith.constant 480 : index
    %swap3A_295 = tpu.vector_load %arg9[%swap3A_294] {strides = array<i32>} : memref<640xf32, #tpu.memory_space<vmem>>, vector<16xf32>,
    tpu.vector_store %arg9[%swap3A_294], %gather3A_293 {strides = array<i32>} : memref<640xf32, #tpu.memory_space<vmem>>, vector<16xf32>,
    %iota3A_296 = tpu.iota {dimensions = array<i32: 0>} : vector<16xi32>
    %add3A_297 = arith.constant 176 : i32
    %add3A_298 = vector.broadcast %add3A_297 : i32 to vector<16xi32>
    %add3A_299 = arith.addi %iota3A_296, %add3A_298 : vector<16xi32>
    %get3A_300 = arith.constant 496 : index
    %get3A_301 = tpu.vector_load %arg7[%get3A_300] {strides = array<i32>} : memref<640xi32, #tpu.memory_space<vmem>>, vector<16xi32>,
    %gather3A_302 = tpu.vector_load_idx %arg8[%add3A_299, %get3A_301] : memref<320x224xf32, #tpu.memory_space<vmem>>[vector<16xi32>, vector<16xi32>], vector<16xf32>,
    %swap3A_303 = arith.constant 496 : index
    %swap3A_304 = tpu.vector_load %arg9[%swap3A_303] {strides = array<i32>} : memref<640xf32, #tpu.memory_space<vmem>>, vector<16xf32>,
    tpu.vector_store %arg9[%swap3A_303], %gather3A_302 {strides = array<i32>} : memref<640xf32, #tpu.memory_space<vmem>>, vector<16xf32>,
    %iota3A_305 = tpu.iota {dimensions = array<i32: 0>} : vector<16xi32>
    %add3A_306 = arith.constant 192 : i32
    %add3A_307 = vector.broadcast %add3A_306 : i32 to vector<16xi32>
    %add3A_308 = arith.addi %iota3A_305, %add3A_307 : vector<16xi32>
    %get3A_309 = arith.constant 512 : index
    %get3A_310 = tpu.vector_load %arg7[%get3A_309] {strides = array<i32>} : memref<640xi32, #tpu.memory_space<vmem>>, vector<16xi32>,
    %gather3A_311 = tpu.vector_load_idx %arg8[%add3A_308, %get3A_310] : memref<320x224xf32, #tpu.memory_space<vmem>>[vector<16xi32>, vector<16xi32>], vector<16xf32>,
    %swap3A_312 = arith.constant 512 : index
    %swap3A_313 = tpu.vector_load %arg9[%swap3A_312] {strides = array<i32>} : memref<640xf32, #tpu.memory_space<vmem>>, vector<16xf32>,
    tpu.vector_store %arg9[%swap3A_312], %gather3A_311 {strides = array<i32>} : memref<640xf32, #tpu.memory_space<vmem>>, vector<16xf32>,
    %iota3A_314 = tpu.iota {dimensions = array<i32: 0>} : vector<16xi32>
    %add3A_315 = arith.constant 208 : i32
    %add3A_316 = vector.broadcast %add3A_315 : i32 to vector<16xi32>
    %add3A_317 = arith.addi %iota3A_314, %add3A_316 : vector<16xi32>
    %get3A_318 = arith.constant 528 : index
    %get3A_319 = tpu.vector_load %arg7[%get3A_318] {strides = array<i32>} : memref<640xi32, #tpu.memory_space<vmem>>, vector<16xi32>,
    %gather3A_320 = tpu.vector_load_idx %arg8[%add3A_317, %get3A_319] : memref<320x224xf32, #tpu.memory_space<vmem>>[vector<16xi32>, vector<16xi32>], vector<16xf32>,
    %swap3A_321 = arith.constant 528 : index
    %swap3A_322 = tpu.vector_load %arg9[%swap3A_321] {strides = array<i32>} : memref<640xf32, #tpu.memory_space<vmem>>, vector<16xf32>,
    tpu.vector_store %arg9[%swap3A_321], %gather3A_320 {strides = array<i32>} : memref<640xf32, #tpu.memory_space<vmem>>, vector<16xf32>,
    %iota3A_323 = tpu.iota {dimensions = array<i32: 0>} : vector<16xi32>
    %add3A_324 = arith.constant 224 : i32
    %add3A_325 = vector.broadcast %add3A_324 : i32 to vector<16xi32>
    %add3A_326 = arith.addi %iota3A_323, %add3A_325 : vector<16xi32>
    %get3A_327 = arith.constant 544 : index
    %get3A_328 = tpu.vector_load %arg7[%get3A_327] {strides = array<i32>} : memref<640xi32, #tpu.memory_space<vmem>>, vector<16xi32>,
    %gather3A_329 = tpu.vector_load_idx %arg8[%add3A_326, %get3A_328] : memref<320x224xf32, #tpu.memory_space<vmem>>[vector<16xi32>, vector<16xi32>], vector<16xf32>,
    %swap3A_330 = arith.constant 544 : index
    %swap3A_331 = tpu.vector_load %arg9[%swap3A_330] {strides = array<i32>} : memref<640xf32, #tpu.memory_space<vmem>>, vector<16xf32>,
    tpu.vector_store %arg9[%swap3A_330], %gather3A_329 {strides = array<i32>} : memref<640xf32, #tpu.memory_space<vmem>>, vector<16xf32>,
    %iota3A_332 = tpu.iota {dimensions = array<i32: 0>} : vector<16xi32>
    %add3A_333 = arith.constant 240 : i32
    %add3A_334 = vector.broadcast %add3A_333 : i32 to vector<16xi32>
    %add3A_335 = arith.addi %iota3A_332, %add3A_334 : vector<16xi32>
    %get3A_336 = arith.constant 560 : index
    %get3A_337 = tpu.vector_load %arg7[%get3A_336] {strides = array<i32>} : memref<640xi32, #tpu.memory_space<vmem>>, vector<16xi32>,
    %gather3A_338 = tpu.vector_load_idx %arg8[%add3A_335, %get3A_337] : memref<320x224xf32, #tpu.memory_space<vmem>>[vector<16xi32>, vector<16xi32>], vector<16xf32>,
    %swap3A_339 = arith.constant 560 : index
    %swap3A_340 = tpu.vector_load %arg9[%swap3A_339] {strides = array<i32>} : memref<640xf32, #tpu.memory_space<vmem>>, vector<16xf32>,
    tpu.vector_store %arg9[%swap3A_339], %gather3A_338 {strides = array<i32>} : memref<640xf32, #tpu.memory_space<vmem>>, vector<16xf32>,
    %iota3A_341 = tpu.iota {dimensions = array<i32: 0>} : vector<16xi32>
    %add3A_342 = arith.constant 256 : i32
    %add3A_343 = vector.broadcast %add3A_342 : i32 to vector<16xi32>
    %add3A_344 = arith.addi %iota3A_341, %add3A_343 : vector<16xi32>
    %get3A_345 = arith.constant 576 : index
    %get3A_346 = tpu.vector_load %arg7[%get3A_345] {strides = array<i32>} : memref<640xi32, #tpu.memory_space<vmem>>, vector<16xi32>,
    %gather3A_347 = tpu.vector_load_idx %arg8[%add3A_344, %get3A_346] : memref<320x224xf32, #tpu.memory_space<vmem>>[vector<16xi32>, vector<16xi32>], vector<16xf32>,
    %swap3A_348 = arith.constant 576 : index
    %swap3A_349 = tpu.vector_load %arg9[%swap3A_348] {strides = array<i32>} : memref<640xf32, #tpu.memory_space<vmem>>, vector<16xf32>,
    tpu.vector_store %arg9[%swap3A_348], %gather3A_347 {strides = array<i32>} : memref<640xf32, #tpu.memory_space<vmem>>, vector<16xf32>,
    %iota3A_350 = tpu.iota {dimensions = array<i32: 0>} : vector<16xi32>
    %add3A_351 = arith.constant 272 : i32
    %add3A_352 = vector.broadcast %add3A_351 : i32 to vector<16xi32>
    %add3A_353 = arith.addi %iota3A_350, %add3A_352 : vector<16xi32>
    %get3A_354 = arith.constant 592 : index
    %get3A_355 = tpu.vector_load %arg7[%get3A_354] {strides = array<i32>} : memref<640xi32, #tpu.memory_space<vmem>>, vector<16xi32>,
    %gather3A_356 = tpu.vector_load_idx %arg8[%add3A_353, %get3A_355] : memref<320x224xf32, #tpu.memory_space<vmem>>[vector<16xi32>, vector<16xi32>], vector<16xf32>,
    %swap3A_357 = arith.constant 592 : index
    %swap3A_358 = tpu.vector_load %arg9[%swap3A_357] {strides = array<i32>} : memref<640xf32, #tpu.memory_space<vmem>>, vector<16xf32>,
    tpu.vector_store %arg9[%swap3A_357], %gather3A_356 {strides = array<i32>} : memref<640xf32, #tpu.memory_space<vmem>>, vector<16xf32>,
    %iota3A_359 = tpu.iota {dimensions = array<i32: 0>} : vector<16xi32>
    %add3A_360 = arith.constant 288 : i32
    %add3A_361 = vector.broadcast %add3A_360 : i32 to vector<16xi32>
    %add3A_362 = arith.addi %iota3A_359, %add3A_361 : vector<16xi32>
    %get3A_363 = arith.constant 608 : index
    %get3A_364 = tpu.vector_load %arg7[%get3A_363] {strides = array<i32>} : memref<640xi32, #tpu.memory_space<vmem>>, vector<16xi32>,
    %gather3A_365 = tpu.vector_load_idx %arg8[%add3A_362, %get3A_364] : memref<320x224xf32, #tpu.memory_space<vmem>>[vector<16xi32>, vector<16xi32>], vector<16xf32>,
    %swap3A_366 = arith.constant 608 : index
    %swap3A_367 = tpu.vector_load %arg9[%swap3A_366] {strides = array<i32>} : memref<640xf32, #tpu.memory_space<vmem>>, vector<16xf32>,
    tpu.vector_store %arg9[%swap3A_366], %gather3A_365 {strides = array<i32>} : memref<640xf32, #tpu.memory_space<vmem>>, vector<16xf32>,
    %iota3A_368 = tpu.iota {dimensions = array<i32: 0>} : vector<16xi32>
    %add3A_369 = arith.constant 304 : i32
    %add3A_370 = vector.broadcast %add3A_369 : i32 to vector<16xi32>
    %add3A_371 = arith.addi %iota3A_368, %add3A_370 : vector<16xi32>
    %get3A_372 = arith.constant 624 : index
    %get3A_373 = tpu.vector_load %arg7[%get3A_372] {strides = array<i32>} : memref<640xi32, #tpu.memory_space<vmem>>, vector<16xi32>,
    %gather3A_374 = tpu.vector_load_idx %arg8[%add3A_371, %get3A_373] : memref<320x224xf32, #tpu.memory_space<vmem>>[vector<16xi32>, vector<16xi32>], vector<16xf32>,
    %swap3A_375 = arith.constant 624 : index
    %swap3A_376 = tpu.vector_load %arg9[%swap3A_375] {strides = array<i32>} : memref<640xf32, #tpu.memory_space<vmem>>, vector<16xf32>,
    tpu.vector_store %arg9[%swap3A_375], %gather3A_374 {strides = array<i32>} : memref<640xf32, #tpu.memory_space<vmem>>, vector<16xf32>,
    "tpu.region"() ({
      %run_scoped3A = tpu.sem_alloc : memref<!tpu.dma_semaphore, #tpu.memory_space<semaphore_mem>>
      %dma_start3A_377 = tpu.memref_slice %arg5[%mul3A_2] : memref<20480xf32, #tpu.memory_space<hbm>> -> memref<640xf32, #tpu.memory_space<hbm>>
      %dma_start3A_378 = tpu.memref_slice %arg5[%mul3A_2] : memref<20480xf32, #tpu.memory_space<hbm>> -> memref<640xf32, #tpu.memory_space<hbm>>
      tpu.enqueue_dma source(%arg9 : memref<640xf32, #tpu.memory_space<vmem>>) target(%dma_start3A_378 : memref<640xf32, #tpu.memory_space<hbm>>) target_semaphore(%run_scoped3A : memref<!tpu.dma_semaphore, #tpu.memory_space<semaphore_mem>>)
      %dma_wait3A_379 = tpu.memref_slice %arg5[%mul3A_2] : memref<20480xf32, #tpu.memory_space<hbm>> -> memref<640xf32, #tpu.memory_space<hbm>>
      %dma_wait3A_380 = tpu.memref_slice %arg5[%mul3A_2] : memref<20480xf32, #tpu.memory_space<hbm>> -> memref<640xf32, #tpu.memory_space<hbm>>
      tpu.wait_dma2 semaphore(%run_scoped3A : memref<!tpu.dma_semaphore, #tpu.memory_space<semaphore_mem>>) src(%arg9 : memref<640xf32, #tpu.memory_space<vmem>>) dst(%dma_wait3A_380 : memref<640xf32, #tpu.memory_space<hbm>>)
      tpu.yield
    }) : () -> ()
    return
  }
}

module attributes {stable_mosaic.version = 14 : i64} {
  func.func @_sample_body(%arg0: memref<6x10xf32, #tpu.memory_space<smem>>, %arg1: memref<10x20x1024xf32, #tpu.memory_space<vmem>>, %arg2: memref<2x20x1024xf32, #tpu.memory_space<vmem>>, %arg3: memref<20x1024xi32, #tpu.memory_space<vmem>>, %arg4: memref<20x1024xi32, #tpu.memory_space<vmem>>, %arg5: memref<20x1024xf32, #tpu.memory_space<vmem>>, %arg6: memref<20x1024xf32, #tpu.memory_space<vmem>>, %arg7: memref<1x1024xf32, #tpu.memory_space<vmem>>) attributes {dimension_semantics = [], scalar_prefetch = 0 : i64, scratch_operands = 0 : i64, tpu.core_type = #tpu.core_type<tc>} {
    %iota3A = tpu.iota {dimensions = array<i32: 1>} : vector<1x1024xi32>
    %get3A = arith.constant 0 : index
    %get3A_0 = arith.constant 0 : index
    %get3A_1 = memref.load %arg0[%get3A, %get3A_0] : memref<6x10xf32, #tpu.memory_space<smem>>
    %get3A_2 = arith.constant 0 : index
    %get3A_3 = arith.constant 1 : index
    %get3A_4 = memref.load %arg0[%get3A_2, %get3A_3] : memref<6x10xf32, #tpu.memory_space<smem>>
    %get3A_5 = arith.constant 0 : index
    %get3A_6 = arith.constant 2 : index
    %get3A_7 = memref.load %arg0[%get3A_5, %get3A_6] : memref<6x10xf32, #tpu.memory_space<smem>>
    %get3A_8 = arith.constant 0 : index
    %get3A_9 = arith.constant 3 : index
    %get3A_10 = memref.load %arg0[%get3A_8, %get3A_9] : memref<6x10xf32, #tpu.memory_space<smem>>
    %get3A_11 = arith.constant 0 : index
    %get3A_12 = arith.constant 4 : index
    %get3A_13 = memref.load %arg0[%get3A_11, %get3A_12] : memref<6x10xf32, #tpu.memory_space<smem>>
    %get3A_14 = arith.constant 0 : index
    %get3A_15 = arith.constant 5 : index
    %get3A_16 = memref.load %arg0[%get3A_14, %get3A_15] : memref<6x10xf32, #tpu.memory_space<smem>>
    %get3A_17 = arith.constant 0 : index
    %get3A_18 = arith.constant 6 : index
    %get3A_19 = memref.load %arg0[%get3A_17, %get3A_18] : memref<6x10xf32, #tpu.memory_space<smem>>
    %get3A_20 = arith.constant 0 : index
    %get3A_21 = arith.constant 7 : index
    %get3A_22 = memref.load %arg0[%get3A_20, %get3A_21] : memref<6x10xf32, #tpu.memory_space<smem>>
    %get3A_23 = arith.constant 0 : index
    %get3A_24 = arith.constant 8 : index
    %get3A_25 = memref.load %arg0[%get3A_23, %get3A_24] : memref<6x10xf32, #tpu.memory_space<smem>>
    %get3A_26 = arith.constant 0 : index
    %get3A_27 = arith.constant 9 : index
    %get3A_28 = memref.load %arg0[%get3A_26, %get3A_27] : memref<6x10xf32, #tpu.memory_space<smem>>
    %mul3A = arith.constant 10 : i32
    %mul3A_29 = vector.broadcast %mul3A : i32 to vector<1x1024xi32>
    %mul3A_30 = arith.muli %iota3A, %mul3A_29 : vector<1x1024xi32>
    %add3A = arith.constant 0 : i32
    %add3A_31 = vector.broadcast %add3A : i32 to vector<1x1024xi32>
    %add3A_32 = arith.addi %mul3A_30, %add3A_31 : vector<1x1024xi32>
    %shift_right_arithmetic3A = arith.constant 10 : i32
    %shift_right_arithmetic3A_33 = vector.broadcast %shift_right_arithmetic3A : i32 to vector<1x1024xi32>
    %shift_right_arithmetic3A_34 = arith.shrsi %add3A_32, %shift_right_arithmetic3A_33 : vector<1x1024xi32>
    %broadcast_in_dim3A = vector.broadcast %get3A_1 : f32 to vector<1x1024xf32>
    %eq3A = arith.constant 1 : i32
    %eq3A_35 = vector.broadcast %eq3A : i32 to vector<1x1024xi32>
    %eq3A_36 = arith.cmpi eq, %shift_right_arithmetic3A_34, %eq3A_35 : vector<1x1024xi32>
    %broadcast_in_dim3A_37 = vector.broadcast %get3A_4 : f32 to vector<1x1024xf32>
    %select_n3A = arith.select %eq3A_36, %broadcast_in_dim3A_37, %broadcast_in_dim3A : vector<1x1024xi1>, vector<1x1024xf32>
    %eq3A_38 = arith.constant 2 : i32
    %eq3A_39 = vector.broadcast %eq3A_38 : i32 to vector<1x1024xi32>
    %eq3A_40 = arith.cmpi eq, %shift_right_arithmetic3A_34, %eq3A_39 : vector<1x1024xi32>
    %broadcast_in_dim3A_41 = vector.broadcast %get3A_7 : f32 to vector<1x1024xf32>
    %select_n3A_42 = arith.select %eq3A_40, %broadcast_in_dim3A_41, %select_n3A : vector<1x1024xi1>, vector<1x1024xf32>
    %eq3A_43 = arith.constant 3 : i32
    %eq3A_44 = vector.broadcast %eq3A_43 : i32 to vector<1x1024xi32>
    %eq3A_45 = arith.cmpi eq, %shift_right_arithmetic3A_34, %eq3A_44 : vector<1x1024xi32>
    %broadcast_in_dim3A_46 = vector.broadcast %get3A_10 : f32 to vector<1x1024xf32>
    %select_n3A_47 = arith.select %eq3A_45, %broadcast_in_dim3A_46, %select_n3A_42 : vector<1x1024xi1>, vector<1x1024xf32>
    %eq3A_48 = arith.constant 4 : i32
    %eq3A_49 = vector.broadcast %eq3A_48 : i32 to vector<1x1024xi32>
    %eq3A_50 = arith.cmpi eq, %shift_right_arithmetic3A_34, %eq3A_49 : vector<1x1024xi32>
    %broadcast_in_dim3A_51 = vector.broadcast %get3A_13 : f32 to vector<1x1024xf32>
    %select_n3A_52 = arith.select %eq3A_50, %broadcast_in_dim3A_51, %select_n3A_47 : vector<1x1024xi1>, vector<1x1024xf32>
    %eq3A_53 = arith.constant 5 : i32
    %eq3A_54 = vector.broadcast %eq3A_53 : i32 to vector<1x1024xi32>
    %eq3A_55 = arith.cmpi eq, %shift_right_arithmetic3A_34, %eq3A_54 : vector<1x1024xi32>
    %broadcast_in_dim3A_56 = vector.broadcast %get3A_16 : f32 to vector<1x1024xf32>
    %select_n3A_57 = arith.select %eq3A_55, %broadcast_in_dim3A_56, %select_n3A_52 : vector<1x1024xi1>, vector<1x1024xf32>
    %eq3A_58 = arith.constant 6 : i32
    %eq3A_59 = vector.broadcast %eq3A_58 : i32 to vector<1x1024xi32>
    %eq3A_60 = arith.cmpi eq, %shift_right_arithmetic3A_34, %eq3A_59 : vector<1x1024xi32>
    %broadcast_in_dim3A_61 = vector.broadcast %get3A_19 : f32 to vector<1x1024xf32>
    %select_n3A_62 = arith.select %eq3A_60, %broadcast_in_dim3A_61, %select_n3A_57 : vector<1x1024xi1>, vector<1x1024xf32>
    %eq3A_63 = arith.constant 7 : i32
    %eq3A_64 = vector.broadcast %eq3A_63 : i32 to vector<1x1024xi32>
    %eq3A_65 = arith.cmpi eq, %shift_right_arithmetic3A_34, %eq3A_64 : vector<1x1024xi32>
    %broadcast_in_dim3A_66 = vector.broadcast %get3A_22 : f32 to vector<1x1024xf32>
    %select_n3A_67 = arith.select %eq3A_65, %broadcast_in_dim3A_66, %select_n3A_62 : vector<1x1024xi1>, vector<1x1024xf32>
    %eq3A_68 = arith.constant 8 : i32
    %eq3A_69 = vector.broadcast %eq3A_68 : i32 to vector<1x1024xi32>
    %eq3A_70 = arith.cmpi eq, %shift_right_arithmetic3A_34, %eq3A_69 : vector<1x1024xi32>
    %broadcast_in_dim3A_71 = vector.broadcast %get3A_25 : f32 to vector<1x1024xf32>
    %select_n3A_72 = arith.select %eq3A_70, %broadcast_in_dim3A_71, %select_n3A_67 : vector<1x1024xi1>, vector<1x1024xf32>
    %eq3A_73 = arith.constant 9 : i32
    %eq3A_74 = vector.broadcast %eq3A_73 : i32 to vector<1x1024xi32>
    %eq3A_75 = arith.cmpi eq, %shift_right_arithmetic3A_34, %eq3A_74 : vector<1x1024xi32>
    %broadcast_in_dim3A_76 = vector.broadcast %get3A_28 : f32 to vector<1x1024xf32>
    %select_n3A_77 = arith.select %eq3A_75, %broadcast_in_dim3A_76, %select_n3A_72 : vector<1x1024xi1>, vector<1x1024xf32>
    %mul3A_78 = arith.constant 10 : i32
    %mul3A_79 = vector.broadcast %mul3A_78 : i32 to vector<1x1024xi32>
    %mul3A_80 = arith.muli %iota3A, %mul3A_79 : vector<1x1024xi32>
    %add3A_81 = arith.constant 1 : i32
    %add3A_82 = vector.broadcast %add3A_81 : i32 to vector<1x1024xi32>
    %add3A_83 = arith.addi %mul3A_80, %add3A_82 : vector<1x1024xi32>
    %shift_right_arithmetic3A_84 = arith.constant 10 : i32
    %shift_right_arithmetic3A_85 = vector.broadcast %shift_right_arithmetic3A_84 : i32 to vector<1x1024xi32>
    %shift_right_arithmetic3A_86 = arith.shrsi %add3A_83, %shift_right_arithmetic3A_85 : vector<1x1024xi32>
    %broadcast_in_dim3A_87 = vector.broadcast %get3A_1 : f32 to vector<1x1024xf32>
    %eq3A_88 = arith.constant 1 : i32
    %eq3A_89 = vector.broadcast %eq3A_88 : i32 to vector<1x1024xi32>
    %eq3A_90 = arith.cmpi eq, %shift_right_arithmetic3A_86, %eq3A_89 : vector<1x1024xi32>
    %broadcast_in_dim3A_91 = vector.broadcast %get3A_4 : f32 to vector<1x1024xf32>
    %select_n3A_92 = arith.select %eq3A_90, %broadcast_in_dim3A_91, %broadcast_in_dim3A_87 : vector<1x1024xi1>, vector<1x1024xf32>
    %eq3A_93 = arith.constant 2 : i32
    %eq3A_94 = vector.broadcast %eq3A_93 : i32 to vector<1x1024xi32>
    %eq3A_95 = arith.cmpi eq, %shift_right_arithmetic3A_86, %eq3A_94 : vector<1x1024xi32>
    %broadcast_in_dim3A_96 = vector.broadcast %get3A_7 : f32 to vector<1x1024xf32>
    %select_n3A_97 = arith.select %eq3A_95, %broadcast_in_dim3A_96, %select_n3A_92 : vector<1x1024xi1>, vector<1x1024xf32>
    %eq3A_98 = arith.constant 3 : i32
    %eq3A_99 = vector.broadcast %eq3A_98 : i32 to vector<1x1024xi32>
    %eq3A_100 = arith.cmpi eq, %shift_right_arithmetic3A_86, %eq3A_99 : vector<1x1024xi32>
    %broadcast_in_dim3A_101 = vector.broadcast %get3A_10 : f32 to vector<1x1024xf32>
    %select_n3A_102 = arith.select %eq3A_100, %broadcast_in_dim3A_101, %select_n3A_97 : vector<1x1024xi1>, vector<1x1024xf32>
    %eq3A_103 = arith.constant 4 : i32
    %eq3A_104 = vector.broadcast %eq3A_103 : i32 to vector<1x1024xi32>
    %eq3A_105 = arith.cmpi eq, %shift_right_arithmetic3A_86, %eq3A_104 : vector<1x1024xi32>
    %broadcast_in_dim3A_106 = vector.broadcast %get3A_13 : f32 to vector<1x1024xf32>
    %select_n3A_107 = arith.select %eq3A_105, %broadcast_in_dim3A_106, %select_n3A_102 : vector<1x1024xi1>, vector<1x1024xf32>
    %eq3A_108 = arith.constant 5 : i32
    %eq3A_109 = vector.broadcast %eq3A_108 : i32 to vector<1x1024xi32>
    %eq3A_110 = arith.cmpi eq, %shift_right_arithmetic3A_86, %eq3A_109 : vector<1x1024xi32>
    %broadcast_in_dim3A_111 = vector.broadcast %get3A_16 : f32 to vector<1x1024xf32>
    %select_n3A_112 = arith.select %eq3A_110, %broadcast_in_dim3A_111, %select_n3A_107 : vector<1x1024xi1>, vector<1x1024xf32>
    %eq3A_113 = arith.constant 6 : i32
    %eq3A_114 = vector.broadcast %eq3A_113 : i32 to vector<1x1024xi32>
    %eq3A_115 = arith.cmpi eq, %shift_right_arithmetic3A_86, %eq3A_114 : vector<1x1024xi32>
    %broadcast_in_dim3A_116 = vector.broadcast %get3A_19 : f32 to vector<1x1024xf32>
    %select_n3A_117 = arith.select %eq3A_115, %broadcast_in_dim3A_116, %select_n3A_112 : vector<1x1024xi1>, vector<1x1024xf32>
    %eq3A_118 = arith.constant 7 : i32
    %eq3A_119 = vector.broadcast %eq3A_118 : i32 to vector<1x1024xi32>
    %eq3A_120 = arith.cmpi eq, %shift_right_arithmetic3A_86, %eq3A_119 : vector<1x1024xi32>
    %broadcast_in_dim3A_121 = vector.broadcast %get3A_22 : f32 to vector<1x1024xf32>
    %select_n3A_122 = arith.select %eq3A_120, %broadcast_in_dim3A_121, %select_n3A_117 : vector<1x1024xi1>, vector<1x1024xf32>
    %eq3A_123 = arith.constant 8 : i32
    %eq3A_124 = vector.broadcast %eq3A_123 : i32 to vector<1x1024xi32>
    %eq3A_125 = arith.cmpi eq, %shift_right_arithmetic3A_86, %eq3A_124 : vector<1x1024xi32>
    %broadcast_in_dim3A_126 = vector.broadcast %get3A_25 : f32 to vector<1x1024xf32>
    %select_n3A_127 = arith.select %eq3A_125, %broadcast_in_dim3A_126, %select_n3A_122 : vector<1x1024xi1>, vector<1x1024xf32>
    %eq3A_128 = arith.constant 9 : i32
    %eq3A_129 = vector.broadcast %eq3A_128 : i32 to vector<1x1024xi32>
    %eq3A_130 = arith.cmpi eq, %shift_right_arithmetic3A_86, %eq3A_129 : vector<1x1024xi32>
    %broadcast_in_dim3A_131 = vector.broadcast %get3A_28 : f32 to vector<1x1024xf32>
    %select_n3A_132 = arith.select %eq3A_130, %broadcast_in_dim3A_131, %select_n3A_127 : vector<1x1024xi1>, vector<1x1024xf32>
    %mul3A_133 = arith.constant 10 : i32
    %mul3A_134 = vector.broadcast %mul3A_133 : i32 to vector<1x1024xi32>
    %mul3A_135 = arith.muli %iota3A, %mul3A_134 : vector<1x1024xi32>
    %add3A_136 = arith.constant 2 : i32
    %add3A_137 = vector.broadcast %add3A_136 : i32 to vector<1x1024xi32>
    %add3A_138 = arith.addi %mul3A_135, %add3A_137 : vector<1x1024xi32>
    %shift_right_arithmetic3A_139 = arith.constant 10 : i32
    %shift_right_arithmetic3A_140 = vector.broadcast %shift_right_arithmetic3A_139 : i32 to vector<1x1024xi32>
    %shift_right_arithmetic3A_141 = arith.shrsi %add3A_138, %shift_right_arithmetic3A_140 : vector<1x1024xi32>
    %broadcast_in_dim3A_142 = vector.broadcast %get3A_1 : f32 to vector<1x1024xf32>
    %eq3A_143 = arith.constant 1 : i32
    %eq3A_144 = vector.broadcast %eq3A_143 : i32 to vector<1x1024xi32>
    %eq3A_145 = arith.cmpi eq, %shift_right_arithmetic3A_141, %eq3A_144 : vector<1x1024xi32>
    %broadcast_in_dim3A_146 = vector.broadcast %get3A_4 : f32 to vector<1x1024xf32>
    %select_n3A_147 = arith.select %eq3A_145, %broadcast_in_dim3A_146, %broadcast_in_dim3A_142 : vector<1x1024xi1>, vector<1x1024xf32>
    %eq3A_148 = arith.constant 2 : i32
    %eq3A_149 = vector.broadcast %eq3A_148 : i32 to vector<1x1024xi32>
    %eq3A_150 = arith.cmpi eq, %shift_right_arithmetic3A_141, %eq3A_149 : vector<1x1024xi32>
    %broadcast_in_dim3A_151 = vector.broadcast %get3A_7 : f32 to vector<1x1024xf32>
    %select_n3A_152 = arith.select %eq3A_150, %broadcast_in_dim3A_151, %select_n3A_147 : vector<1x1024xi1>, vector<1x1024xf32>
    %eq3A_153 = arith.constant 3 : i32
    %eq3A_154 = vector.broadcast %eq3A_153 : i32 to vector<1x1024xi32>
    %eq3A_155 = arith.cmpi eq, %shift_right_arithmetic3A_141, %eq3A_154 : vector<1x1024xi32>
    %broadcast_in_dim3A_156 = vector.broadcast %get3A_10 : f32 to vector<1x1024xf32>
    %select_n3A_157 = arith.select %eq3A_155, %broadcast_in_dim3A_156, %select_n3A_152 : vector<1x1024xi1>, vector<1x1024xf32>
    %eq3A_158 = arith.constant 4 : i32
    %eq3A_159 = vector.broadcast %eq3A_158 : i32 to vector<1x1024xi32>
    %eq3A_160 = arith.cmpi eq, %shift_right_arithmetic3A_141, %eq3A_159 : vector<1x1024xi32>
    %broadcast_in_dim3A_161 = vector.broadcast %get3A_13 : f32 to vector<1x1024xf32>
    %select_n3A_162 = arith.select %eq3A_160, %broadcast_in_dim3A_161, %select_n3A_157 : vector<1x1024xi1>, vector<1x1024xf32>
    %eq3A_163 = arith.constant 5 : i32
    %eq3A_164 = vector.broadcast %eq3A_163 : i32 to vector<1x1024xi32>
    %eq3A_165 = arith.cmpi eq, %shift_right_arithmetic3A_141, %eq3A_164 : vector<1x1024xi32>
    %broadcast_in_dim3A_166 = vector.broadcast %get3A_16 : f32 to vector<1x1024xf32>
    %select_n3A_167 = arith.select %eq3A_165, %broadcast_in_dim3A_166, %select_n3A_162 : vector<1x1024xi1>, vector<1x1024xf32>
    %eq3A_168 = arith.constant 6 : i32
    %eq3A_169 = vector.broadcast %eq3A_168 : i32 to vector<1x1024xi32>
    %eq3A_170 = arith.cmpi eq, %shift_right_arithmetic3A_141, %eq3A_169 : vector<1x1024xi32>
    %broadcast_in_dim3A_171 = vector.broadcast %get3A_19 : f32 to vector<1x1024xf32>
    %select_n3A_172 = arith.select %eq3A_170, %broadcast_in_dim3A_171, %select_n3A_167 : vector<1x1024xi1>, vector<1x1024xf32>
    %eq3A_173 = arith.constant 7 : i32
    %eq3A_174 = vector.broadcast %eq3A_173 : i32 to vector<1x1024xi32>
    %eq3A_175 = arith.cmpi eq, %shift_right_arithmetic3A_141, %eq3A_174 : vector<1x1024xi32>
    %broadcast_in_dim3A_176 = vector.broadcast %get3A_22 : f32 to vector<1x1024xf32>
    %select_n3A_177 = arith.select %eq3A_175, %broadcast_in_dim3A_176, %select_n3A_172 : vector<1x1024xi1>, vector<1x1024xf32>
    %eq3A_178 = arith.constant 8 : i32
    %eq3A_179 = vector.broadcast %eq3A_178 : i32 to vector<1x1024xi32>
    %eq3A_180 = arith.cmpi eq, %shift_right_arithmetic3A_141, %eq3A_179 : vector<1x1024xi32>
    %broadcast_in_dim3A_181 = vector.broadcast %get3A_25 : f32 to vector<1x1024xf32>
    %select_n3A_182 = arith.select %eq3A_180, %broadcast_in_dim3A_181, %select_n3A_177 : vector<1x1024xi1>, vector<1x1024xf32>
    %eq3A_183 = arith.constant 9 : i32
    %eq3A_184 = vector.broadcast %eq3A_183 : i32 to vector<1x1024xi32>
    %eq3A_185 = arith.cmpi eq, %shift_right_arithmetic3A_141, %eq3A_184 : vector<1x1024xi32>
    %broadcast_in_dim3A_186 = vector.broadcast %get3A_28 : f32 to vector<1x1024xf32>
    %select_n3A_187 = arith.select %eq3A_185, %broadcast_in_dim3A_186, %select_n3A_182 : vector<1x1024xi1>, vector<1x1024xf32>
    %mul3A_188 = arith.constant 10 : i32
    %mul3A_189 = vector.broadcast %mul3A_188 : i32 to vector<1x1024xi32>
    %mul3A_190 = arith.muli %iota3A, %mul3A_189 : vector<1x1024xi32>
    %add3A_191 = arith.constant 3 : i32
    %add3A_192 = vector.broadcast %add3A_191 : i32 to vector<1x1024xi32>
    %add3A_193 = arith.addi %mul3A_190, %add3A_192 : vector<1x1024xi32>
    %shift_right_arithmetic3A_194 = arith.constant 10 : i32
    %shift_right_arithmetic3A_195 = vector.broadcast %shift_right_arithmetic3A_194 : i32 to vector<1x1024xi32>
    %shift_right_arithmetic3A_196 = arith.shrsi %add3A_193, %shift_right_arithmetic3A_195 : vector<1x1024xi32>
    %broadcast_in_dim3A_197 = vector.broadcast %get3A_1 : f32 to vector<1x1024xf32>
    %eq3A_198 = arith.constant 1 : i32
    %eq3A_199 = vector.broadcast %eq3A_198 : i32 to vector<1x1024xi32>
    %eq3A_200 = arith.cmpi eq, %shift_right_arithmetic3A_196, %eq3A_199 : vector<1x1024xi32>
    %broadcast_in_dim3A_201 = vector.broadcast %get3A_4 : f32 to vector<1x1024xf32>
    %select_n3A_202 = arith.select %eq3A_200, %broadcast_in_dim3A_201, %broadcast_in_dim3A_197 : vector<1x1024xi1>, vector<1x1024xf32>
    %eq3A_203 = arith.constant 2 : i32
    %eq3A_204 = vector.broadcast %eq3A_203 : i32 to vector<1x1024xi32>
    %eq3A_205 = arith.cmpi eq, %shift_right_arithmetic3A_196, %eq3A_204 : vector<1x1024xi32>
    %broadcast_in_dim3A_206 = vector.broadcast %get3A_7 : f32 to vector<1x1024xf32>
    %select_n3A_207 = arith.select %eq3A_205, %broadcast_in_dim3A_206, %select_n3A_202 : vector<1x1024xi1>, vector<1x1024xf32>
    %eq3A_208 = arith.constant 3 : i32
    %eq3A_209 = vector.broadcast %eq3A_208 : i32 to vector<1x1024xi32>
    %eq3A_210 = arith.cmpi eq, %shift_right_arithmetic3A_196, %eq3A_209 : vector<1x1024xi32>
    %broadcast_in_dim3A_211 = vector.broadcast %get3A_10 : f32 to vector<1x1024xf32>
    %select_n3A_212 = arith.select %eq3A_210, %broadcast_in_dim3A_211, %select_n3A_207 : vector<1x1024xi1>, vector<1x1024xf32>
    %eq3A_213 = arith.constant 4 : i32
    %eq3A_214 = vector.broadcast %eq3A_213 : i32 to vector<1x1024xi32>
    %eq3A_215 = arith.cmpi eq, %shift_right_arithmetic3A_196, %eq3A_214 : vector<1x1024xi32>
    %broadcast_in_dim3A_216 = vector.broadcast %get3A_13 : f32 to vector<1x1024xf32>
    %select_n3A_217 = arith.select %eq3A_215, %broadcast_in_dim3A_216, %select_n3A_212 : vector<1x1024xi1>, vector<1x1024xf32>
    %eq3A_218 = arith.constant 5 : i32
    %eq3A_219 = vector.broadcast %eq3A_218 : i32 to vector<1x1024xi32>
    %eq3A_220 = arith.cmpi eq, %shift_right_arithmetic3A_196, %eq3A_219 : vector<1x1024xi32>
    %broadcast_in_dim3A_221 = vector.broadcast %get3A_16 : f32 to vector<1x1024xf32>
    %select_n3A_222 = arith.select %eq3A_220, %broadcast_in_dim3A_221, %select_n3A_217 : vector<1x1024xi1>, vector<1x1024xf32>
    %eq3A_223 = arith.constant 6 : i32
    %eq3A_224 = vector.broadcast %eq3A_223 : i32 to vector<1x1024xi32>
    %eq3A_225 = arith.cmpi eq, %shift_right_arithmetic3A_196, %eq3A_224 : vector<1x1024xi32>
    %broadcast_in_dim3A_226 = vector.broadcast %get3A_19 : f32 to vector<1x1024xf32>
    %select_n3A_227 = arith.select %eq3A_225, %broadcast_in_dim3A_226, %select_n3A_222 : vector<1x1024xi1>, vector<1x1024xf32>
    %eq3A_228 = arith.constant 7 : i32
    %eq3A_229 = vector.broadcast %eq3A_228 : i32 to vector<1x1024xi32>
    %eq3A_230 = arith.cmpi eq, %shift_right_arithmetic3A_196, %eq3A_229 : vector<1x1024xi32>
    %broadcast_in_dim3A_231 = vector.broadcast %get3A_22 : f32 to vector<1x1024xf32>
    %select_n3A_232 = arith.select %eq3A_230, %broadcast_in_dim3A_231, %select_n3A_227 : vector<1x1024xi1>, vector<1x1024xf32>
    %eq3A_233 = arith.constant 8 : i32
    %eq3A_234 = vector.broadcast %eq3A_233 : i32 to vector<1x1024xi32>
    %eq3A_235 = arith.cmpi eq, %shift_right_arithmetic3A_196, %eq3A_234 : vector<1x1024xi32>
    %broadcast_in_dim3A_236 = vector.broadcast %get3A_25 : f32 to vector<1x1024xf32>
    %select_n3A_237 = arith.select %eq3A_235, %broadcast_in_dim3A_236, %select_n3A_232 : vector<1x1024xi1>, vector<1x1024xf32>
    %eq3A_238 = arith.constant 9 : i32
    %eq3A_239 = vector.broadcast %eq3A_238 : i32 to vector<1x1024xi32>
    %eq3A_240 = arith.cmpi eq, %shift_right_arithmetic3A_196, %eq3A_239 : vector<1x1024xi32>
    %broadcast_in_dim3A_241 = vector.broadcast %get3A_28 : f32 to vector<1x1024xf32>
    %select_n3A_242 = arith.select %eq3A_240, %broadcast_in_dim3A_241, %select_n3A_237 : vector<1x1024xi1>, vector<1x1024xf32>
    %mul3A_243 = arith.constant 10 : i32
    %mul3A_244 = vector.broadcast %mul3A_243 : i32 to vector<1x1024xi32>
    %mul3A_245 = arith.muli %iota3A, %mul3A_244 : vector<1x1024xi32>
    %add3A_246 = arith.constant 4 : i32
    %add3A_247 = vector.broadcast %add3A_246 : i32 to vector<1x1024xi32>
    %add3A_248 = arith.addi %mul3A_245, %add3A_247 : vector<1x1024xi32>
    %shift_right_arithmetic3A_249 = arith.constant 10 : i32
    %shift_right_arithmetic3A_250 = vector.broadcast %shift_right_arithmetic3A_249 : i32 to vector<1x1024xi32>
    %shift_right_arithmetic3A_251 = arith.shrsi %add3A_248, %shift_right_arithmetic3A_250 : vector<1x1024xi32>
    %broadcast_in_dim3A_252 = vector.broadcast %get3A_1 : f32 to vector<1x1024xf32>
    %eq3A_253 = arith.constant 1 : i32
    %eq3A_254 = vector.broadcast %eq3A_253 : i32 to vector<1x1024xi32>
    %eq3A_255 = arith.cmpi eq, %shift_right_arithmetic3A_251, %eq3A_254 : vector<1x1024xi32>
    %broadcast_in_dim3A_256 = vector.broadcast %get3A_4 : f32 to vector<1x1024xf32>
    %select_n3A_257 = arith.select %eq3A_255, %broadcast_in_dim3A_256, %broadcast_in_dim3A_252 : vector<1x1024xi1>, vector<1x1024xf32>
    %eq3A_258 = arith.constant 2 : i32
    %eq3A_259 = vector.broadcast %eq3A_258 : i32 to vector<1x1024xi32>
    %eq3A_260 = arith.cmpi eq, %shift_right_arithmetic3A_251, %eq3A_259 : vector<1x1024xi32>
    %broadcast_in_dim3A_261 = vector.broadcast %get3A_7 : f32 to vector<1x1024xf32>
    %select_n3A_262 = arith.select %eq3A_260, %broadcast_in_dim3A_261, %select_n3A_257 : vector<1x1024xi1>, vector<1x1024xf32>
    %eq3A_263 = arith.constant 3 : i32
    %eq3A_264 = vector.broadcast %eq3A_263 : i32 to vector<1x1024xi32>
    %eq3A_265 = arith.cmpi eq, %shift_right_arithmetic3A_251, %eq3A_264 : vector<1x1024xi32>
    %broadcast_in_dim3A_266 = vector.broadcast %get3A_10 : f32 to vector<1x1024xf32>
    %select_n3A_267 = arith.select %eq3A_265, %broadcast_in_dim3A_266, %select_n3A_262 : vector<1x1024xi1>, vector<1x1024xf32>
    %eq3A_268 = arith.constant 4 : i32
    %eq3A_269 = vector.broadcast %eq3A_268 : i32 to vector<1x1024xi32>
    %eq3A_270 = arith.cmpi eq, %shift_right_arithmetic3A_251, %eq3A_269 : vector<1x1024xi32>
    %broadcast_in_dim3A_271 = vector.broadcast %get3A_13 : f32 to vector<1x1024xf32>
    %select_n3A_272 = arith.select %eq3A_270, %broadcast_in_dim3A_271, %select_n3A_267 : vector<1x1024xi1>, vector<1x1024xf32>
    %eq3A_273 = arith.constant 5 : i32
    %eq3A_274 = vector.broadcast %eq3A_273 : i32 to vector<1x1024xi32>
    %eq3A_275 = arith.cmpi eq, %shift_right_arithmetic3A_251, %eq3A_274 : vector<1x1024xi32>
    %broadcast_in_dim3A_276 = vector.broadcast %get3A_16 : f32 to vector<1x1024xf32>
    %select_n3A_277 = arith.select %eq3A_275, %broadcast_in_dim3A_276, %select_n3A_272 : vector<1x1024xi1>, vector<1x1024xf32>
    %eq3A_278 = arith.constant 6 : i32
    %eq3A_279 = vector.broadcast %eq3A_278 : i32 to vector<1x1024xi32>
    %eq3A_280 = arith.cmpi eq, %shift_right_arithmetic3A_251, %eq3A_279 : vector<1x1024xi32>
    %broadcast_in_dim3A_281 = vector.broadcast %get3A_19 : f32 to vector<1x1024xf32>
    %select_n3A_282 = arith.select %eq3A_280, %broadcast_in_dim3A_281, %select_n3A_277 : vector<1x1024xi1>, vector<1x1024xf32>
    %eq3A_283 = arith.constant 7 : i32
    %eq3A_284 = vector.broadcast %eq3A_283 : i32 to vector<1x1024xi32>
    %eq3A_285 = arith.cmpi eq, %shift_right_arithmetic3A_251, %eq3A_284 : vector<1x1024xi32>
    %broadcast_in_dim3A_286 = vector.broadcast %get3A_22 : f32 to vector<1x1024xf32>
    %select_n3A_287 = arith.select %eq3A_285, %broadcast_in_dim3A_286, %select_n3A_282 : vector<1x1024xi1>, vector<1x1024xf32>
    %eq3A_288 = arith.constant 8 : i32
    %eq3A_289 = vector.broadcast %eq3A_288 : i32 to vector<1x1024xi32>
    %eq3A_290 = arith.cmpi eq, %shift_right_arithmetic3A_251, %eq3A_289 : vector<1x1024xi32>
    %broadcast_in_dim3A_291 = vector.broadcast %get3A_25 : f32 to vector<1x1024xf32>
    %select_n3A_292 = arith.select %eq3A_290, %broadcast_in_dim3A_291, %select_n3A_287 : vector<1x1024xi1>, vector<1x1024xf32>
    %eq3A_293 = arith.constant 9 : i32
    %eq3A_294 = vector.broadcast %eq3A_293 : i32 to vector<1x1024xi32>
    %eq3A_295 = arith.cmpi eq, %shift_right_arithmetic3A_251, %eq3A_294 : vector<1x1024xi32>
    %broadcast_in_dim3A_296 = vector.broadcast %get3A_28 : f32 to vector<1x1024xf32>
    %select_n3A_297 = arith.select %eq3A_295, %broadcast_in_dim3A_296, %select_n3A_292 : vector<1x1024xi1>, vector<1x1024xf32>
    %mul3A_298 = arith.constant 10 : i32
    %mul3A_299 = vector.broadcast %mul3A_298 : i32 to vector<1x1024xi32>
    %mul3A_300 = arith.muli %iota3A, %mul3A_299 : vector<1x1024xi32>
    %add3A_301 = arith.constant 5 : i32
    %add3A_302 = vector.broadcast %add3A_301 : i32 to vector<1x1024xi32>
    %add3A_303 = arith.addi %mul3A_300, %add3A_302 : vector<1x1024xi32>
    %shift_right_arithmetic3A_304 = arith.constant 10 : i32
    %shift_right_arithmetic3A_305 = vector.broadcast %shift_right_arithmetic3A_304 : i32 to vector<1x1024xi32>
    %shift_right_arithmetic3A_306 = arith.shrsi %add3A_303, %shift_right_arithmetic3A_305 : vector<1x1024xi32>
    %broadcast_in_dim3A_307 = vector.broadcast %get3A_1 : f32 to vector<1x1024xf32>
    %eq3A_308 = arith.constant 1 : i32
    %eq3A_309 = vector.broadcast %eq3A_308 : i32 to vector<1x1024xi32>
    %eq3A_310 = arith.cmpi eq, %shift_right_arithmetic3A_306, %eq3A_309 : vector<1x1024xi32>
    %broadcast_in_dim3A_311 = vector.broadcast %get3A_4 : f32 to vector<1x1024xf32>
    %select_n3A_312 = arith.select %eq3A_310, %broadcast_in_dim3A_311, %broadcast_in_dim3A_307 : vector<1x1024xi1>, vector<1x1024xf32>
    %eq3A_313 = arith.constant 2 : i32
    %eq3A_314 = vector.broadcast %eq3A_313 : i32 to vector<1x1024xi32>
    %eq3A_315 = arith.cmpi eq, %shift_right_arithmetic3A_306, %eq3A_314 : vector<1x1024xi32>
    %broadcast_in_dim3A_316 = vector.broadcast %get3A_7 : f32 to vector<1x1024xf32>
    %select_n3A_317 = arith.select %eq3A_315, %broadcast_in_dim3A_316, %select_n3A_312 : vector<1x1024xi1>, vector<1x1024xf32>
    %eq3A_318 = arith.constant 3 : i32
    %eq3A_319 = vector.broadcast %eq3A_318 : i32 to vector<1x1024xi32>
    %eq3A_320 = arith.cmpi eq, %shift_right_arithmetic3A_306, %eq3A_319 : vector<1x1024xi32>
    %broadcast_in_dim3A_321 = vector.broadcast %get3A_10 : f32 to vector<1x1024xf32>
    %select_n3A_322 = arith.select %eq3A_320, %broadcast_in_dim3A_321, %select_n3A_317 : vector<1x1024xi1>, vector<1x1024xf32>
    %eq3A_323 = arith.constant 4 : i32
    %eq3A_324 = vector.broadcast %eq3A_323 : i32 to vector<1x1024xi32>
    %eq3A_325 = arith.cmpi eq, %shift_right_arithmetic3A_306, %eq3A_324 : vector<1x1024xi32>
    %broadcast_in_dim3A_326 = vector.broadcast %get3A_13 : f32 to vector<1x1024xf32>
    %select_n3A_327 = arith.select %eq3A_325, %broadcast_in_dim3A_326, %select_n3A_322 : vector<1x1024xi1>, vector<1x1024xf32>
    %eq3A_328 = arith.constant 5 : i32
    %eq3A_329 = vector.broadcast %eq3A_328 : i32 to vector<1x1024xi32>
    %eq3A_330 = arith.cmpi eq, %shift_right_arithmetic3A_306, %eq3A_329 : vector<1x1024xi32>
    %broadcast_in_dim3A_331 = vector.broadcast %get3A_16 : f32 to vector<1x1024xf32>
    %select_n3A_332 = arith.select %eq3A_330, %broadcast_in_dim3A_331, %select_n3A_327 : vector<1x1024xi1>, vector<1x1024xf32>
    %eq3A_333 = arith.constant 6 : i32
    %eq3A_334 = vector.broadcast %eq3A_333 : i32 to vector<1x1024xi32>
    %eq3A_335 = arith.cmpi eq, %shift_right_arithmetic3A_306, %eq3A_334 : vector<1x1024xi32>
    %broadcast_in_dim3A_336 = vector.broadcast %get3A_19 : f32 to vector<1x1024xf32>
    %select_n3A_337 = arith.select %eq3A_335, %broadcast_in_dim3A_336, %select_n3A_332 : vector<1x1024xi1>, vector<1x1024xf32>
    %eq3A_338 = arith.constant 7 : i32
    %eq3A_339 = vector.broadcast %eq3A_338 : i32 to vector<1x1024xi32>
    %eq3A_340 = arith.cmpi eq, %shift_right_arithmetic3A_306, %eq3A_339 : vector<1x1024xi32>
    %broadcast_in_dim3A_341 = vector.broadcast %get3A_22 : f32 to vector<1x1024xf32>
    %select_n3A_342 = arith.select %eq3A_340, %broadcast_in_dim3A_341, %select_n3A_337 : vector<1x1024xi1>, vector<1x1024xf32>
    %eq3A_343 = arith.constant 8 : i32
    %eq3A_344 = vector.broadcast %eq3A_343 : i32 to vector<1x1024xi32>
    %eq3A_345 = arith.cmpi eq, %shift_right_arithmetic3A_306, %eq3A_344 : vector<1x1024xi32>
    %broadcast_in_dim3A_346 = vector.broadcast %get3A_25 : f32 to vector<1x1024xf32>
    %select_n3A_347 = arith.select %eq3A_345, %broadcast_in_dim3A_346, %select_n3A_342 : vector<1x1024xi1>, vector<1x1024xf32>
    %eq3A_348 = arith.constant 9 : i32
    %eq3A_349 = vector.broadcast %eq3A_348 : i32 to vector<1x1024xi32>
    %eq3A_350 = arith.cmpi eq, %shift_right_arithmetic3A_306, %eq3A_349 : vector<1x1024xi32>
    %broadcast_in_dim3A_351 = vector.broadcast %get3A_28 : f32 to vector<1x1024xf32>
    %select_n3A_352 = arith.select %eq3A_350, %broadcast_in_dim3A_351, %select_n3A_347 : vector<1x1024xi1>, vector<1x1024xf32>
    %mul3A_353 = arith.constant 10 : i32
    %mul3A_354 = vector.broadcast %mul3A_353 : i32 to vector<1x1024xi32>
    %mul3A_355 = arith.muli %iota3A, %mul3A_354 : vector<1x1024xi32>
    %add3A_356 = arith.constant 6 : i32
    %add3A_357 = vector.broadcast %add3A_356 : i32 to vector<1x1024xi32>
    %add3A_358 = arith.addi %mul3A_355, %add3A_357 : vector<1x1024xi32>
    %shift_right_arithmetic3A_359 = arith.constant 10 : i32
    %shift_right_arithmetic3A_360 = vector.broadcast %shift_right_arithmetic3A_359 : i32 to vector<1x1024xi32>
    %shift_right_arithmetic3A_361 = arith.shrsi %add3A_358, %shift_right_arithmetic3A_360 : vector<1x1024xi32>
    %broadcast_in_dim3A_362 = vector.broadcast %get3A_1 : f32 to vector<1x1024xf32>
    %eq3A_363 = arith.constant 1 : i32
    %eq3A_364 = vector.broadcast %eq3A_363 : i32 to vector<1x1024xi32>
    %eq3A_365 = arith.cmpi eq, %shift_right_arithmetic3A_361, %eq3A_364 : vector<1x1024xi32>
    %broadcast_in_dim3A_366 = vector.broadcast %get3A_4 : f32 to vector<1x1024xf32>
    %select_n3A_367 = arith.select %eq3A_365, %broadcast_in_dim3A_366, %broadcast_in_dim3A_362 : vector<1x1024xi1>, vector<1x1024xf32>
    %eq3A_368 = arith.constant 2 : i32
    %eq3A_369 = vector.broadcast %eq3A_368 : i32 to vector<1x1024xi32>
    %eq3A_370 = arith.cmpi eq, %shift_right_arithmetic3A_361, %eq3A_369 : vector<1x1024xi32>
    %broadcast_in_dim3A_371 = vector.broadcast %get3A_7 : f32 to vector<1x1024xf32>
    %select_n3A_372 = arith.select %eq3A_370, %broadcast_in_dim3A_371, %select_n3A_367 : vector<1x1024xi1>, vector<1x1024xf32>
    %eq3A_373 = arith.constant 3 : i32
    %eq3A_374 = vector.broadcast %eq3A_373 : i32 to vector<1x1024xi32>
    %eq3A_375 = arith.cmpi eq, %shift_right_arithmetic3A_361, %eq3A_374 : vector<1x1024xi32>
    %broadcast_in_dim3A_376 = vector.broadcast %get3A_10 : f32 to vector<1x1024xf32>
    %select_n3A_377 = arith.select %eq3A_375, %broadcast_in_dim3A_376, %select_n3A_372 : vector<1x1024xi1>, vector<1x1024xf32>
    %eq3A_378 = arith.constant 4 : i32
    %eq3A_379 = vector.broadcast %eq3A_378 : i32 to vector<1x1024xi32>
    %eq3A_380 = arith.cmpi eq, %shift_right_arithmetic3A_361, %eq3A_379 : vector<1x1024xi32>
    %broadcast_in_dim3A_381 = vector.broadcast %get3A_13 : f32 to vector<1x1024xf32>
    %select_n3A_382 = arith.select %eq3A_380, %broadcast_in_dim3A_381, %select_n3A_377 : vector<1x1024xi1>, vector<1x1024xf32>
    %eq3A_383 = arith.constant 5 : i32
    %eq3A_384 = vector.broadcast %eq3A_383 : i32 to vector<1x1024xi32>
    %eq3A_385 = arith.cmpi eq, %shift_right_arithmetic3A_361, %eq3A_384 : vector<1x1024xi32>
    %broadcast_in_dim3A_386 = vector.broadcast %get3A_16 : f32 to vector<1x1024xf32>
    %select_n3A_387 = arith.select %eq3A_385, %broadcast_in_dim3A_386, %select_n3A_382 : vector<1x1024xi1>, vector<1x1024xf32>
    %eq3A_388 = arith.constant 6 : i32
    %eq3A_389 = vector.broadcast %eq3A_388 : i32 to vector<1x1024xi32>
    %eq3A_390 = arith.cmpi eq, %shift_right_arithmetic3A_361, %eq3A_389 : vector<1x1024xi32>
    %broadcast_in_dim3A_391 = vector.broadcast %get3A_19 : f32 to vector<1x1024xf32>
    %select_n3A_392 = arith.select %eq3A_390, %broadcast_in_dim3A_391, %select_n3A_387 : vector<1x1024xi1>, vector<1x1024xf32>
    %eq3A_393 = arith.constant 7 : i32
    %eq3A_394 = vector.broadcast %eq3A_393 : i32 to vector<1x1024xi32>
    %eq3A_395 = arith.cmpi eq, %shift_right_arithmetic3A_361, %eq3A_394 : vector<1x1024xi32>
    %broadcast_in_dim3A_396 = vector.broadcast %get3A_22 : f32 to vector<1x1024xf32>
    %select_n3A_397 = arith.select %eq3A_395, %broadcast_in_dim3A_396, %select_n3A_392 : vector<1x1024xi1>, vector<1x1024xf32>
    %eq3A_398 = arith.constant 8 : i32
    %eq3A_399 = vector.broadcast %eq3A_398 : i32 to vector<1x1024xi32>
    %eq3A_400 = arith.cmpi eq, %shift_right_arithmetic3A_361, %eq3A_399 : vector<1x1024xi32>
    %broadcast_in_dim3A_401 = vector.broadcast %get3A_25 : f32 to vector<1x1024xf32>
    %select_n3A_402 = arith.select %eq3A_400, %broadcast_in_dim3A_401, %select_n3A_397 : vector<1x1024xi1>, vector<1x1024xf32>
    %eq3A_403 = arith.constant 9 : i32
    %eq3A_404 = vector.broadcast %eq3A_403 : i32 to vector<1x1024xi32>
    %eq3A_405 = arith.cmpi eq, %shift_right_arithmetic3A_361, %eq3A_404 : vector<1x1024xi32>
    %broadcast_in_dim3A_406 = vector.broadcast %get3A_28 : f32 to vector<1x1024xf32>
    %select_n3A_407 = arith.select %eq3A_405, %broadcast_in_dim3A_406, %select_n3A_402 : vector<1x1024xi1>, vector<1x1024xf32>
    %mul3A_408 = arith.constant 10 : i32
    %mul3A_409 = vector.broadcast %mul3A_408 : i32 to vector<1x1024xi32>
    %mul3A_410 = arith.muli %iota3A, %mul3A_409 : vector<1x1024xi32>
    %add3A_411 = arith.constant 7 : i32
    %add3A_412 = vector.broadcast %add3A_411 : i32 to vector<1x1024xi32>
    %add3A_413 = arith.addi %mul3A_410, %add3A_412 : vector<1x1024xi32>
    %shift_right_arithmetic3A_414 = arith.constant 10 : i32
    %shift_right_arithmetic3A_415 = vector.broadcast %shift_right_arithmetic3A_414 : i32 to vector<1x1024xi32>
    %shift_right_arithmetic3A_416 = arith.shrsi %add3A_413, %shift_right_arithmetic3A_415 : vector<1x1024xi32>
    %broadcast_in_dim3A_417 = vector.broadcast %get3A_1 : f32 to vector<1x1024xf32>
    %eq3A_418 = arith.constant 1 : i32
    %eq3A_419 = vector.broadcast %eq3A_418 : i32 to vector<1x1024xi32>
    %eq3A_420 = arith.cmpi eq, %shift_right_arithmetic3A_416, %eq3A_419 : vector<1x1024xi32>
    %broadcast_in_dim3A_421 = vector.broadcast %get3A_4 : f32 to vector<1x1024xf32>
    %select_n3A_422 = arith.select %eq3A_420, %broadcast_in_dim3A_421, %broadcast_in_dim3A_417 : vector<1x1024xi1>, vector<1x1024xf32>
    %eq3A_423 = arith.constant 2 : i32
    %eq3A_424 = vector.broadcast %eq3A_423 : i32 to vector<1x1024xi32>
    %eq3A_425 = arith.cmpi eq, %shift_right_arithmetic3A_416, %eq3A_424 : vector<1x1024xi32>
    %broadcast_in_dim3A_426 = vector.broadcast %get3A_7 : f32 to vector<1x1024xf32>
    %select_n3A_427 = arith.select %eq3A_425, %broadcast_in_dim3A_426, %select_n3A_422 : vector<1x1024xi1>, vector<1x1024xf32>
    %eq3A_428 = arith.constant 3 : i32
    %eq3A_429 = vector.broadcast %eq3A_428 : i32 to vector<1x1024xi32>
    %eq3A_430 = arith.cmpi eq, %shift_right_arithmetic3A_416, %eq3A_429 : vector<1x1024xi32>
    %broadcast_in_dim3A_431 = vector.broadcast %get3A_10 : f32 to vector<1x1024xf32>
    %select_n3A_432 = arith.select %eq3A_430, %broadcast_in_dim3A_431, %select_n3A_427 : vector<1x1024xi1>, vector<1x1024xf32>
    %eq3A_433 = arith.constant 4 : i32
    %eq3A_434 = vector.broadcast %eq3A_433 : i32 to vector<1x1024xi32>
    %eq3A_435 = arith.cmpi eq, %shift_right_arithmetic3A_416, %eq3A_434 : vector<1x1024xi32>
    %broadcast_in_dim3A_436 = vector.broadcast %get3A_13 : f32 to vector<1x1024xf32>
    %select_n3A_437 = arith.select %eq3A_435, %broadcast_in_dim3A_436, %select_n3A_432 : vector<1x1024xi1>, vector<1x1024xf32>
    %eq3A_438 = arith.constant 5 : i32
    %eq3A_439 = vector.broadcast %eq3A_438 : i32 to vector<1x1024xi32>
    %eq3A_440 = arith.cmpi eq, %shift_right_arithmetic3A_416, %eq3A_439 : vector<1x1024xi32>
    %broadcast_in_dim3A_441 = vector.broadcast %get3A_16 : f32 to vector<1x1024xf32>
    %select_n3A_442 = arith.select %eq3A_440, %broadcast_in_dim3A_441, %select_n3A_437 : vector<1x1024xi1>, vector<1x1024xf32>
    %eq3A_443 = arith.constant 6 : i32
    %eq3A_444 = vector.broadcast %eq3A_443 : i32 to vector<1x1024xi32>
    %eq3A_445 = arith.cmpi eq, %shift_right_arithmetic3A_416, %eq3A_444 : vector<1x1024xi32>
    %broadcast_in_dim3A_446 = vector.broadcast %get3A_19 : f32 to vector<1x1024xf32>
    %select_n3A_447 = arith.select %eq3A_445, %broadcast_in_dim3A_446, %select_n3A_442 : vector<1x1024xi1>, vector<1x1024xf32>
    %eq3A_448 = arith.constant 7 : i32
    %eq3A_449 = vector.broadcast %eq3A_448 : i32 to vector<1x1024xi32>
    %eq3A_450 = arith.cmpi eq, %shift_right_arithmetic3A_416, %eq3A_449 : vector<1x1024xi32>
    %broadcast_in_dim3A_451 = vector.broadcast %get3A_22 : f32 to vector<1x1024xf32>
    %select_n3A_452 = arith.select %eq3A_450, %broadcast_in_dim3A_451, %select_n3A_447 : vector<1x1024xi1>, vector<1x1024xf32>
    %eq3A_453 = arith.constant 8 : i32
    %eq3A_454 = vector.broadcast %eq3A_453 : i32 to vector<1x1024xi32>
    %eq3A_455 = arith.cmpi eq, %shift_right_arithmetic3A_416, %eq3A_454 : vector<1x1024xi32>
    %broadcast_in_dim3A_456 = vector.broadcast %get3A_25 : f32 to vector<1x1024xf32>
    %select_n3A_457 = arith.select %eq3A_455, %broadcast_in_dim3A_456, %select_n3A_452 : vector<1x1024xi1>, vector<1x1024xf32>
    %eq3A_458 = arith.constant 9 : i32
    %eq3A_459 = vector.broadcast %eq3A_458 : i32 to vector<1x1024xi32>
    %eq3A_460 = arith.cmpi eq, %shift_right_arithmetic3A_416, %eq3A_459 : vector<1x1024xi32>
    %broadcast_in_dim3A_461 = vector.broadcast %get3A_28 : f32 to vector<1x1024xf32>
    %select_n3A_462 = arith.select %eq3A_460, %broadcast_in_dim3A_461, %select_n3A_457 : vector<1x1024xi1>, vector<1x1024xf32>
    %mul3A_463 = arith.constant 10 : i32
    %mul3A_464 = vector.broadcast %mul3A_463 : i32 to vector<1x1024xi32>
    %mul3A_465 = arith.muli %iota3A, %mul3A_464 : vector<1x1024xi32>
    %add3A_466 = arith.constant 8 : i32
    %add3A_467 = vector.broadcast %add3A_466 : i32 to vector<1x1024xi32>
    %add3A_468 = arith.addi %mul3A_465, %add3A_467 : vector<1x1024xi32>
    %shift_right_arithmetic3A_469 = arith.constant 10 : i32
    %shift_right_arithmetic3A_470 = vector.broadcast %shift_right_arithmetic3A_469 : i32 to vector<1x1024xi32>
    %shift_right_arithmetic3A_471 = arith.shrsi %add3A_468, %shift_right_arithmetic3A_470 : vector<1x1024xi32>
    %broadcast_in_dim3A_472 = vector.broadcast %get3A_1 : f32 to vector<1x1024xf32>
    %eq3A_473 = arith.constant 1 : i32
    %eq3A_474 = vector.broadcast %eq3A_473 : i32 to vector<1x1024xi32>
    %eq3A_475 = arith.cmpi eq, %shift_right_arithmetic3A_471, %eq3A_474 : vector<1x1024xi32>
    %broadcast_in_dim3A_476 = vector.broadcast %get3A_4 : f32 to vector<1x1024xf32>
    %select_n3A_477 = arith.select %eq3A_475, %broadcast_in_dim3A_476, %broadcast_in_dim3A_472 : vector<1x1024xi1>, vector<1x1024xf32>
    %eq3A_478 = arith.constant 2 : i32
    %eq3A_479 = vector.broadcast %eq3A_478 : i32 to vector<1x1024xi32>
    %eq3A_480 = arith.cmpi eq, %shift_right_arithmetic3A_471, %eq3A_479 : vector<1x1024xi32>
    %broadcast_in_dim3A_481 = vector.broadcast %get3A_7 : f32 to vector<1x1024xf32>
    %select_n3A_482 = arith.select %eq3A_480, %broadcast_in_dim3A_481, %select_n3A_477 : vector<1x1024xi1>, vector<1x1024xf32>
    %eq3A_483 = arith.constant 3 : i32
    %eq3A_484 = vector.broadcast %eq3A_483 : i32 to vector<1x1024xi32>
    %eq3A_485 = arith.cmpi eq, %shift_right_arithmetic3A_471, %eq3A_484 : vector<1x1024xi32>
    %broadcast_in_dim3A_486 = vector.broadcast %get3A_10 : f32 to vector<1x1024xf32>
    %select_n3A_487 = arith.select %eq3A_485, %broadcast_in_dim3A_486, %select_n3A_482 : vector<1x1024xi1>, vector<1x1024xf32>
    %eq3A_488 = arith.constant 4 : i32
    %eq3A_489 = vector.broadcast %eq3A_488 : i32 to vector<1x1024xi32>
    %eq3A_490 = arith.cmpi eq, %shift_right_arithmetic3A_471, %eq3A_489 : vector<1x1024xi32>
    %broadcast_in_dim3A_491 = vector.broadcast %get3A_13 : f32 to vector<1x1024xf32>
    %select_n3A_492 = arith.select %eq3A_490, %broadcast_in_dim3A_491, %select_n3A_487 : vector<1x1024xi1>, vector<1x1024xf32>
    %eq3A_493 = arith.constant 5 : i32
    %eq3A_494 = vector.broadcast %eq3A_493 : i32 to vector<1x1024xi32>
    %eq3A_495 = arith.cmpi eq, %shift_right_arithmetic3A_471, %eq3A_494 : vector<1x1024xi32>
    %broadcast_in_dim3A_496 = vector.broadcast %get3A_16 : f32 to vector<1x1024xf32>
    %select_n3A_497 = arith.select %eq3A_495, %broadcast_in_dim3A_496, %select_n3A_492 : vector<1x1024xi1>, vector<1x1024xf32>
    %eq3A_498 = arith.constant 6 : i32
    %eq3A_499 = vector.broadcast %eq3A_498 : i32 to vector<1x1024xi32>
    %eq3A_500 = arith.cmpi eq, %shift_right_arithmetic3A_471, %eq3A_499 : vector<1x1024xi32>
    %broadcast_in_dim3A_501 = vector.broadcast %get3A_19 : f32 to vector<1x1024xf32>
    %select_n3A_502 = arith.select %eq3A_500, %broadcast_in_dim3A_501, %select_n3A_497 : vector<1x1024xi1>, vector<1x1024xf32>
    %eq3A_503 = arith.constant 7 : i32
    %eq3A_504 = vector.broadcast %eq3A_503 : i32 to vector<1x1024xi32>
    %eq3A_505 = arith.cmpi eq, %shift_right_arithmetic3A_471, %eq3A_504 : vector<1x1024xi32>
    %broadcast_in_dim3A_506 = vector.broadcast %get3A_22 : f32 to vector<1x1024xf32>
    %select_n3A_507 = arith.select %eq3A_505, %broadcast_in_dim3A_506, %select_n3A_502 : vector<1x1024xi1>, vector<1x1024xf32>
    %eq3A_508 = arith.constant 8 : i32
    %eq3A_509 = vector.broadcast %eq3A_508 : i32 to vector<1x1024xi32>
    %eq3A_510 = arith.cmpi eq, %shift_right_arithmetic3A_471, %eq3A_509 : vector<1x1024xi32>
    %broadcast_in_dim3A_511 = vector.broadcast %get3A_25 : f32 to vector<1x1024xf32>
    %select_n3A_512 = arith.select %eq3A_510, %broadcast_in_dim3A_511, %select_n3A_507 : vector<1x1024xi1>, vector<1x1024xf32>
    %eq3A_513 = arith.constant 9 : i32
    %eq3A_514 = vector.broadcast %eq3A_513 : i32 to vector<1x1024xi32>
    %eq3A_515 = arith.cmpi eq, %shift_right_arithmetic3A_471, %eq3A_514 : vector<1x1024xi32>
    %broadcast_in_dim3A_516 = vector.broadcast %get3A_28 : f32 to vector<1x1024xf32>
    %select_n3A_517 = arith.select %eq3A_515, %broadcast_in_dim3A_516, %select_n3A_512 : vector<1x1024xi1>, vector<1x1024xf32>
    %mul3A_518 = arith.constant 10 : i32
    %mul3A_519 = vector.broadcast %mul3A_518 : i32 to vector<1x1024xi32>
    %mul3A_520 = arith.muli %iota3A, %mul3A_519 : vector<1x1024xi32>
    %add3A_521 = arith.constant 9 : i32
    %add3A_522 = vector.broadcast %add3A_521 : i32 to vector<1x1024xi32>
    %add3A_523 = arith.addi %mul3A_520, %add3A_522 : vector<1x1024xi32>
    %shift_right_arithmetic3A_524 = arith.constant 10 : i32
    %shift_right_arithmetic3A_525 = vector.broadcast %shift_right_arithmetic3A_524 : i32 to vector<1x1024xi32>
    %shift_right_arithmetic3A_526 = arith.shrsi %add3A_523, %shift_right_arithmetic3A_525 : vector<1x1024xi32>
    %broadcast_in_dim3A_527 = vector.broadcast %get3A_1 : f32 to vector<1x1024xf32>
    %eq3A_528 = arith.constant 1 : i32
    %eq3A_529 = vector.broadcast %eq3A_528 : i32 to vector<1x1024xi32>
    %eq3A_530 = arith.cmpi eq, %shift_right_arithmetic3A_526, %eq3A_529 : vector<1x1024xi32>
    %broadcast_in_dim3A_531 = vector.broadcast %get3A_4 : f32 to vector<1x1024xf32>
    %select_n3A_532 = arith.select %eq3A_530, %broadcast_in_dim3A_531, %broadcast_in_dim3A_527 : vector<1x1024xi1>, vector<1x1024xf32>
    %eq3A_533 = arith.constant 2 : i32
    %eq3A_534 = vector.broadcast %eq3A_533 : i32 to vector<1x1024xi32>
    %eq3A_535 = arith.cmpi eq, %shift_right_arithmetic3A_526, %eq3A_534 : vector<1x1024xi32>
    %broadcast_in_dim3A_536 = vector.broadcast %get3A_7 : f32 to vector<1x1024xf32>
    %select_n3A_537 = arith.select %eq3A_535, %broadcast_in_dim3A_536, %select_n3A_532 : vector<1x1024xi1>, vector<1x1024xf32>
    %eq3A_538 = arith.constant 3 : i32
    %eq3A_539 = vector.broadcast %eq3A_538 : i32 to vector<1x1024xi32>
    %eq3A_540 = arith.cmpi eq, %shift_right_arithmetic3A_526, %eq3A_539 : vector<1x1024xi32>
    %broadcast_in_dim3A_541 = vector.broadcast %get3A_10 : f32 to vector<1x1024xf32>
    %select_n3A_542 = arith.select %eq3A_540, %broadcast_in_dim3A_541, %select_n3A_537 : vector<1x1024xi1>, vector<1x1024xf32>
    %eq3A_543 = arith.constant 4 : i32
    %eq3A_544 = vector.broadcast %eq3A_543 : i32 to vector<1x1024xi32>
    %eq3A_545 = arith.cmpi eq, %shift_right_arithmetic3A_526, %eq3A_544 : vector<1x1024xi32>
    %broadcast_in_dim3A_546 = vector.broadcast %get3A_13 : f32 to vector<1x1024xf32>
    %select_n3A_547 = arith.select %eq3A_545, %broadcast_in_dim3A_546, %select_n3A_542 : vector<1x1024xi1>, vector<1x1024xf32>
    %eq3A_548 = arith.constant 5 : i32
    %eq3A_549 = vector.broadcast %eq3A_548 : i32 to vector<1x1024xi32>
    %eq3A_550 = arith.cmpi eq, %shift_right_arithmetic3A_526, %eq3A_549 : vector<1x1024xi32>
    %broadcast_in_dim3A_551 = vector.broadcast %get3A_16 : f32 to vector<1x1024xf32>
    %select_n3A_552 = arith.select %eq3A_550, %broadcast_in_dim3A_551, %select_n3A_547 : vector<1x1024xi1>, vector<1x1024xf32>
    %eq3A_553 = arith.constant 6 : i32
    %eq3A_554 = vector.broadcast %eq3A_553 : i32 to vector<1x1024xi32>
    %eq3A_555 = arith.cmpi eq, %shift_right_arithmetic3A_526, %eq3A_554 : vector<1x1024xi32>
    %broadcast_in_dim3A_556 = vector.broadcast %get3A_19 : f32 to vector<1x1024xf32>
    %select_n3A_557 = arith.select %eq3A_555, %broadcast_in_dim3A_556, %select_n3A_552 : vector<1x1024xi1>, vector<1x1024xf32>
    %eq3A_558 = arith.constant 7 : i32
    %eq3A_559 = vector.broadcast %eq3A_558 : i32 to vector<1x1024xi32>
    %eq3A_560 = arith.cmpi eq, %shift_right_arithmetic3A_526, %eq3A_559 : vector<1x1024xi32>
    %broadcast_in_dim3A_561 = vector.broadcast %get3A_22 : f32 to vector<1x1024xf32>
    %select_n3A_562 = arith.select %eq3A_560, %broadcast_in_dim3A_561, %select_n3A_557 : vector<1x1024xi1>, vector<1x1024xf32>
    %eq3A_563 = arith.constant 8 : i32
    %eq3A_564 = vector.broadcast %eq3A_563 : i32 to vector<1x1024xi32>
    %eq3A_565 = arith.cmpi eq, %shift_right_arithmetic3A_526, %eq3A_564 : vector<1x1024xi32>
    %broadcast_in_dim3A_566 = vector.broadcast %get3A_25 : f32 to vector<1x1024xf32>
    %select_n3A_567 = arith.select %eq3A_565, %broadcast_in_dim3A_566, %select_n3A_562 : vector<1x1024xi1>, vector<1x1024xf32>
    %eq3A_568 = arith.constant 9 : i32
    %eq3A_569 = vector.broadcast %eq3A_568 : i32 to vector<1x1024xi32>
    %eq3A_570 = arith.cmpi eq, %shift_right_arithmetic3A_526, %eq3A_569 : vector<1x1024xi32>
    %broadcast_in_dim3A_571 = vector.broadcast %get3A_28 : f32 to vector<1x1024xf32>
    %select_n3A_572 = arith.select %eq3A_570, %broadcast_in_dim3A_571, %select_n3A_567 : vector<1x1024xi1>, vector<1x1024xf32>
    %max3A = arith.maximumf %select_n3A_77, %select_n3A_132 : vector<1x1024xf32>
    %max3A_573 = arith.maximumf %max3A, %select_n3A_187 : vector<1x1024xf32>
    %max3A_574 = arith.maximumf %max3A_573, %select_n3A_242 : vector<1x1024xf32>
    %max3A_575 = arith.maximumf %max3A_574, %select_n3A_297 : vector<1x1024xf32>
    %max3A_576 = arith.maximumf %max3A_575, %select_n3A_352 : vector<1x1024xf32>
    %max3A_577 = arith.maximumf %max3A_576, %select_n3A_407 : vector<1x1024xf32>
    %max3A_578 = arith.maximumf %max3A_577, %select_n3A_462 : vector<1x1024xf32>
    %max3A_579 = arith.maximumf %max3A_578, %select_n3A_517 : vector<1x1024xf32>
    %max3A_580 = arith.maximumf %max3A_579, %select_n3A_572 : vector<1x1024xf32>
    %sub3A = arith.subf %select_n3A_77, %max3A_580 : vector<1x1024xf32>
    %exp3A = math.exp %sub3A : vector<1x1024xf32>
    %sub3A_581 = arith.subf %select_n3A_132, %max3A_580 : vector<1x1024xf32>
    %exp3A_582 = math.exp %sub3A_581 : vector<1x1024xf32>
    %sub3A_583 = arith.subf %select_n3A_187, %max3A_580 : vector<1x1024xf32>
    %exp3A_584 = math.exp %sub3A_583 : vector<1x1024xf32>
    %sub3A_585 = arith.subf %select_n3A_242, %max3A_580 : vector<1x1024xf32>
    %exp3A_586 = math.exp %sub3A_585 : vector<1x1024xf32>
    %sub3A_587 = arith.subf %select_n3A_297, %max3A_580 : vector<1x1024xf32>
    %exp3A_588 = math.exp %sub3A_587 : vector<1x1024xf32>
    %sub3A_589 = arith.subf %select_n3A_352, %max3A_580 : vector<1x1024xf32>
    %exp3A_590 = math.exp %sub3A_589 : vector<1x1024xf32>
    %sub3A_591 = arith.subf %select_n3A_407, %max3A_580 : vector<1x1024xf32>
    %exp3A_592 = math.exp %sub3A_591 : vector<1x1024xf32>
    %sub3A_593 = arith.subf %select_n3A_462, %max3A_580 : vector<1x1024xf32>
    %exp3A_594 = math.exp %sub3A_593 : vector<1x1024xf32>
    %sub3A_595 = arith.subf %select_n3A_517, %max3A_580 : vector<1x1024xf32>
    %exp3A_596 = math.exp %sub3A_595 : vector<1x1024xf32>
    %sub3A_597 = arith.subf %select_n3A_572, %max3A_580 : vector<1x1024xf32>
    %exp3A_598 = math.exp %sub3A_597 : vector<1x1024xf32>
    %add3A_599 = arith.addf %exp3A, %exp3A_582 : vector<1x1024xf32>
    %add3A_600 = arith.addf %add3A_599, %exp3A_584 : vector<1x1024xf32>
    %add3A_601 = arith.addf %add3A_600, %exp3A_586 : vector<1x1024xf32>
    %add3A_602 = arith.addf %add3A_601, %exp3A_588 : vector<1x1024xf32>
    %add3A_603 = arith.addf %add3A_602, %exp3A_590 : vector<1x1024xf32>
    %add3A_604 = arith.addf %add3A_603, %exp3A_592 : vector<1x1024xf32>
    %add3A_605 = arith.addf %add3A_604, %exp3A_594 : vector<1x1024xf32>
    %add3A_606 = arith.addf %add3A_605, %exp3A_596 : vector<1x1024xf32>
    %add3A_607 = arith.addf %add3A_606, %exp3A_598 : vector<1x1024xf32>
    %div3A = arith.divf %exp3A, %add3A_607 : vector<1x1024xf32>
    %log3A = math.log %div3A : vector<1x1024xf32>
    %div3A_608 = arith.divf %exp3A_582, %add3A_607 : vector<1x1024xf32>
    %log3A_609 = math.log %div3A_608 : vector<1x1024xf32>
    %div3A_610 = arith.divf %exp3A_584, %add3A_607 : vector<1x1024xf32>
    %log3A_611 = math.log %div3A_610 : vector<1x1024xf32>
    %div3A_612 = arith.divf %exp3A_586, %add3A_607 : vector<1x1024xf32>
    %log3A_613 = math.log %div3A_612 : vector<1x1024xf32>
    %div3A_614 = arith.divf %exp3A_588, %add3A_607 : vector<1x1024xf32>
    %log3A_615 = math.log %div3A_614 : vector<1x1024xf32>
    %div3A_616 = arith.divf %exp3A_590, %add3A_607 : vector<1x1024xf32>
    %log3A_617 = math.log %div3A_616 : vector<1x1024xf32>
    %div3A_618 = arith.divf %exp3A_592, %add3A_607 : vector<1x1024xf32>
    %log3A_619 = math.log %div3A_618 : vector<1x1024xf32>
    %div3A_620 = arith.divf %exp3A_594, %add3A_607 : vector<1x1024xf32>
    %log3A_621 = math.log %div3A_620 : vector<1x1024xf32>
    %div3A_622 = arith.divf %exp3A_596, %add3A_607 : vector<1x1024xf32>
    %log3A_623 = math.log %div3A_622 : vector<1x1024xf32>
    %div3A_624 = arith.divf %exp3A_598, %add3A_607 : vector<1x1024xf32>
    %log3A_625 = math.log %div3A_624 : vector<1x1024xf32>
    %get3A_626 = arith.constant 0 : index
    %get3A_627 = arith.constant 0 : index
    %get3A_628 = arith.constant 0 : index
    %get3A_629 = vector.load %arg1[%get3A_626, %get3A_627, %get3A_628] : memref<10x20x1024xf32, #tpu.memory_space<vmem>>, vector<1x20x1024xf32>
    %get3A_630 = vector.shape_cast %get3A_629 : vector<1x20x1024xf32> to vector<20x1024xf32>
    %add3A_631 = vector.broadcast %log3A : vector<1x1024xf32> to vector<20x1024xf32>
    %add3A_632 = arith.addf %add3A_631, %get3A_630 : vector<20x1024xf32>
    %broadcast_in_dim3A_633 = arith.constant 0 : i32
    %broadcast_in_dim3A_634 = vector.broadcast %broadcast_in_dim3A_633 : i32 to vector<20x1024xi32>
    %get3A_635 = arith.constant 1 : index
    %get3A_636 = arith.constant 0 : index
    %get3A_637 = arith.constant 0 : index
    %get3A_638 = vector.load %arg1[%get3A_635, %get3A_636, %get3A_637] : memref<10x20x1024xf32, #tpu.memory_space<vmem>>, vector<1x20x1024xf32>
    %get3A_639 = vector.shape_cast %get3A_638 : vector<1x20x1024xf32> to vector<20x1024xf32>
    %add3A_640 = vector.broadcast %log3A_609 : vector<1x1024xf32> to vector<20x1024xf32>
    %add3A_641 = arith.addf %add3A_640, %get3A_639 : vector<20x1024xf32>
    %gt3A = arith.cmpf ogt, %add3A_641, %add3A_632 : vector<20x1024xf32>
    %select_n3A_642 = arith.select %gt3A, %add3A_641, %add3A_632 : vector<20x1024xi1>, vector<20x1024xf32>
    %jit3A = arith.constant 1 : i32
    %broadcast_in_dim3A_643 = vector.broadcast %jit3A : i32 to vector<20x1024xi32>
    %select_n3A_644 = arith.select %gt3A, %broadcast_in_dim3A_643, %broadcast_in_dim3A_634 : vector<20x1024xi1>, vector<20x1024xi32>
    %get3A_645 = arith.constant 2 : index
    %get3A_646 = arith.constant 0 : index
    %get3A_647 = arith.constant 0 : index
    %get3A_648 = vector.load %arg1[%get3A_645, %get3A_646, %get3A_647] : memref<10x20x1024xf32, #tpu.memory_space<vmem>>, vector<1x20x1024xf32>
    %get3A_649 = vector.shape_cast %get3A_648 : vector<1x20x1024xf32> to vector<20x1024xf32>
    %add3A_650 = vector.broadcast %log3A_611 : vector<1x1024xf32> to vector<20x1024xf32>
    %add3A_651 = arith.addf %add3A_650, %get3A_649 : vector<20x1024xf32>
    %gt3A_652 = arith.cmpf ogt, %add3A_651, %select_n3A_642 : vector<20x1024xf32>
    %select_n3A_653 = arith.select %gt3A_652, %add3A_651, %select_n3A_642 : vector<20x1024xi1>, vector<20x1024xf32>
    %jit3A_654 = arith.constant 2 : i32
    %broadcast_in_dim3A_655 = vector.broadcast %jit3A_654 : i32 to vector<20x1024xi32>
    %select_n3A_656 = arith.select %gt3A_652, %broadcast_in_dim3A_655, %select_n3A_644 : vector<20x1024xi1>, vector<20x1024xi32>
    %get3A_657 = arith.constant 3 : index
    %get3A_658 = arith.constant 0 : index
    %get3A_659 = arith.constant 0 : index
    %get3A_660 = vector.load %arg1[%get3A_657, %get3A_658, %get3A_659] : memref<10x20x1024xf32, #tpu.memory_space<vmem>>, vector<1x20x1024xf32>
    %get3A_661 = vector.shape_cast %get3A_660 : vector<1x20x1024xf32> to vector<20x1024xf32>
    %add3A_662 = vector.broadcast %log3A_613 : vector<1x1024xf32> to vector<20x1024xf32>
    %add3A_663 = arith.addf %add3A_662, %get3A_661 : vector<20x1024xf32>
    %gt3A_664 = arith.cmpf ogt, %add3A_663, %select_n3A_653 : vector<20x1024xf32>
    %select_n3A_665 = arith.select %gt3A_664, %add3A_663, %select_n3A_653 : vector<20x1024xi1>, vector<20x1024xf32>
    %jit3A_666 = arith.constant 3 : i32
    %broadcast_in_dim3A_667 = vector.broadcast %jit3A_666 : i32 to vector<20x1024xi32>
    %select_n3A_668 = arith.select %gt3A_664, %broadcast_in_dim3A_667, %select_n3A_656 : vector<20x1024xi1>, vector<20x1024xi32>
    %get3A_669 = arith.constant 4 : index
    %get3A_670 = arith.constant 0 : index
    %get3A_671 = arith.constant 0 : index
    %get3A_672 = vector.load %arg1[%get3A_669, %get3A_670, %get3A_671] : memref<10x20x1024xf32, #tpu.memory_space<vmem>>, vector<1x20x1024xf32>
    %get3A_673 = vector.shape_cast %get3A_672 : vector<1x20x1024xf32> to vector<20x1024xf32>
    %add3A_674 = vector.broadcast %log3A_615 : vector<1x1024xf32> to vector<20x1024xf32>
    %add3A_675 = arith.addf %add3A_674, %get3A_673 : vector<20x1024xf32>
    %gt3A_676 = arith.cmpf ogt, %add3A_675, %select_n3A_665 : vector<20x1024xf32>
    %select_n3A_677 = arith.select %gt3A_676, %add3A_675, %select_n3A_665 : vector<20x1024xi1>, vector<20x1024xf32>
    %jit3A_678 = arith.constant 4 : i32
    %broadcast_in_dim3A_679 = vector.broadcast %jit3A_678 : i32 to vector<20x1024xi32>
    %select_n3A_680 = arith.select %gt3A_676, %broadcast_in_dim3A_679, %select_n3A_668 : vector<20x1024xi1>, vector<20x1024xi32>
    %get3A_681 = arith.constant 5 : index
    %get3A_682 = arith.constant 0 : index
    %get3A_683 = arith.constant 0 : index
    %get3A_684 = vector.load %arg1[%get3A_681, %get3A_682, %get3A_683] : memref<10x20x1024xf32, #tpu.memory_space<vmem>>, vector<1x20x1024xf32>
    %get3A_685 = vector.shape_cast %get3A_684 : vector<1x20x1024xf32> to vector<20x1024xf32>
    %add3A_686 = vector.broadcast %log3A_617 : vector<1x1024xf32> to vector<20x1024xf32>
    %add3A_687 = arith.addf %add3A_686, %get3A_685 : vector<20x1024xf32>
    %gt3A_688 = arith.cmpf ogt, %add3A_687, %select_n3A_677 : vector<20x1024xf32>
    %select_n3A_689 = arith.select %gt3A_688, %add3A_687, %select_n3A_677 : vector<20x1024xi1>, vector<20x1024xf32>
    %jit3A_690 = arith.constant 5 : i32
    %broadcast_in_dim3A_691 = vector.broadcast %jit3A_690 : i32 to vector<20x1024xi32>
    %select_n3A_692 = arith.select %gt3A_688, %broadcast_in_dim3A_691, %select_n3A_680 : vector<20x1024xi1>, vector<20x1024xi32>
    %get3A_693 = arith.constant 6 : index
    %get3A_694 = arith.constant 0 : index
    %get3A_695 = arith.constant 0 : index
    %get3A_696 = vector.load %arg1[%get3A_693, %get3A_694, %get3A_695] : memref<10x20x1024xf32, #tpu.memory_space<vmem>>, vector<1x20x1024xf32>
    %get3A_697 = vector.shape_cast %get3A_696 : vector<1x20x1024xf32> to vector<20x1024xf32>
    %add3A_698 = vector.broadcast %log3A_619 : vector<1x1024xf32> to vector<20x1024xf32>
    %add3A_699 = arith.addf %add3A_698, %get3A_697 : vector<20x1024xf32>
    %gt3A_700 = arith.cmpf ogt, %add3A_699, %select_n3A_689 : vector<20x1024xf32>
    %select_n3A_701 = arith.select %gt3A_700, %add3A_699, %select_n3A_689 : vector<20x1024xi1>, vector<20x1024xf32>
    %jit3A_702 = arith.constant 6 : i32
    %broadcast_in_dim3A_703 = vector.broadcast %jit3A_702 : i32 to vector<20x1024xi32>
    %select_n3A_704 = arith.select %gt3A_700, %broadcast_in_dim3A_703, %select_n3A_692 : vector<20x1024xi1>, vector<20x1024xi32>
    %get3A_705 = arith.constant 7 : index
    %get3A_706 = arith.constant 0 : index
    %get3A_707 = arith.constant 0 : index
    %get3A_708 = vector.load %arg1[%get3A_705, %get3A_706, %get3A_707] : memref<10x20x1024xf32, #tpu.memory_space<vmem>>, vector<1x20x1024xf32>
    %get3A_709 = vector.shape_cast %get3A_708 : vector<1x20x1024xf32> to vector<20x1024xf32>
    %add3A_710 = vector.broadcast %log3A_621 : vector<1x1024xf32> to vector<20x1024xf32>
    %add3A_711 = arith.addf %add3A_710, %get3A_709 : vector<20x1024xf32>
    %gt3A_712 = arith.cmpf ogt, %add3A_711, %select_n3A_701 : vector<20x1024xf32>
    %select_n3A_713 = arith.select %gt3A_712, %add3A_711, %select_n3A_701 : vector<20x1024xi1>, vector<20x1024xf32>
    %jit3A_714 = arith.constant 7 : i32
    %broadcast_in_dim3A_715 = vector.broadcast %jit3A_714 : i32 to vector<20x1024xi32>
    %select_n3A_716 = arith.select %gt3A_712, %broadcast_in_dim3A_715, %select_n3A_704 : vector<20x1024xi1>, vector<20x1024xi32>
    %get3A_717 = arith.constant 8 : index
    %get3A_718 = arith.constant 0 : index
    %get3A_719 = arith.constant 0 : index
    %get3A_720 = vector.load %arg1[%get3A_717, %get3A_718, %get3A_719] : memref<10x20x1024xf32, #tpu.memory_space<vmem>>, vector<1x20x1024xf32>
    %get3A_721 = vector.shape_cast %get3A_720 : vector<1x20x1024xf32> to vector<20x1024xf32>
    %add3A_722 = vector.broadcast %log3A_623 : vector<1x1024xf32> to vector<20x1024xf32>
    %add3A_723 = arith.addf %add3A_722, %get3A_721 : vector<20x1024xf32>
    %gt3A_724 = arith.cmpf ogt, %add3A_723, %select_n3A_713 : vector<20x1024xf32>
    %select_n3A_725 = arith.select %gt3A_724, %add3A_723, %select_n3A_713 : vector<20x1024xi1>, vector<20x1024xf32>
    %jit3A_726 = arith.constant 8 : i32
    %broadcast_in_dim3A_727 = vector.broadcast %jit3A_726 : i32 to vector<20x1024xi32>
    %select_n3A_728 = arith.select %gt3A_724, %broadcast_in_dim3A_727, %select_n3A_716 : vector<20x1024xi1>, vector<20x1024xi32>
    %get3A_729 = arith.constant 9 : index
    %get3A_730 = arith.constant 0 : index
    %get3A_731 = arith.constant 0 : index
    %get3A_732 = vector.load %arg1[%get3A_729, %get3A_730, %get3A_731] : memref<10x20x1024xf32, #tpu.memory_space<vmem>>, vector<1x20x1024xf32>
    %get3A_733 = vector.shape_cast %get3A_732 : vector<1x20x1024xf32> to vector<20x1024xf32>
    %add3A_734 = vector.broadcast %log3A_625 : vector<1x1024xf32> to vector<20x1024xf32>
    %add3A_735 = arith.addf %add3A_734, %get3A_733 : vector<20x1024xf32>
    %gt3A_736 = arith.cmpf ogt, %add3A_735, %select_n3A_725 : vector<20x1024xf32>
    %jit3A_737 = arith.constant 9 : i32
    %broadcast_in_dim3A_738 = vector.broadcast %jit3A_737 : i32 to vector<20x1024xi32>
    %select_n3A_739 = arith.select %gt3A_736, %broadcast_in_dim3A_738, %select_n3A_728 : vector<20x1024xi1>, vector<20x1024xi32>
    %iota3A_740 = tpu.iota {dimensions = array<i32: 1>} : vector<20x1024xi32>
    %mul3A_741 = arith.constant 10 : i32
    %mul3A_742 = vector.broadcast %mul3A_741 : i32 to vector<20x1024xi32>
    %mul3A_743 = arith.muli %iota3A_740, %mul3A_742 : vector<20x1024xi32>
    %add3A_744 = arith.addi %mul3A_743, %select_n3A_739 : vector<20x1024xi32>
    %shift_right_arithmetic3A_745 = arith.constant 10 : i32
    %shift_right_arithmetic3A_746 = vector.broadcast %shift_right_arithmetic3A_745 : i32 to vector<20x1024xi32>
    %shift_right_arithmetic3A_747 = arith.shrsi %add3A_744, %shift_right_arithmetic3A_746 : vector<20x1024xi32>
    %get3A_748 = arith.constant 1 : index
    %get3A_749 = arith.constant 0 : index
    %get3A_750 = memref.load %arg0[%get3A_748, %get3A_749] : memref<6x10xf32, #tpu.memory_space<smem>>
    %get3A_751 = arith.constant 1 : index
    %get3A_752 = arith.constant 1 : index
    %get3A_753 = memref.load %arg0[%get3A_751, %get3A_752] : memref<6x10xf32, #tpu.memory_space<smem>>
    %get3A_754 = arith.constant 1 : index
    %get3A_755 = arith.constant 2 : index
    %get3A_756 = memref.load %arg0[%get3A_754, %get3A_755] : memref<6x10xf32, #tpu.memory_space<smem>>
    %get3A_757 = arith.constant 1 : index
    %get3A_758 = arith.constant 3 : index
    %get3A_759 = memref.load %arg0[%get3A_757, %get3A_758] : memref<6x10xf32, #tpu.memory_space<smem>>
    %get3A_760 = arith.constant 1 : index
    %get3A_761 = arith.constant 4 : index
    %get3A_762 = memref.load %arg0[%get3A_760, %get3A_761] : memref<6x10xf32, #tpu.memory_space<smem>>
    %get3A_763 = arith.constant 1 : index
    %get3A_764 = arith.constant 5 : index
    %get3A_765 = memref.load %arg0[%get3A_763, %get3A_764] : memref<6x10xf32, #tpu.memory_space<smem>>
    %get3A_766 = arith.constant 1 : index
    %get3A_767 = arith.constant 6 : index
    %get3A_768 = memref.load %arg0[%get3A_766, %get3A_767] : memref<6x10xf32, #tpu.memory_space<smem>>
    %get3A_769 = arith.constant 1 : index
    %get3A_770 = arith.constant 7 : index
    %get3A_771 = memref.load %arg0[%get3A_769, %get3A_770] : memref<6x10xf32, #tpu.memory_space<smem>>
    %get3A_772 = arith.constant 1 : index
    %get3A_773 = arith.constant 8 : index
    %get3A_774 = memref.load %arg0[%get3A_772, %get3A_773] : memref<6x10xf32, #tpu.memory_space<smem>>
    %get3A_775 = arith.constant 1 : index
    %get3A_776 = arith.constant 9 : index
    %get3A_777 = memref.load %arg0[%get3A_775, %get3A_776] : memref<6x10xf32, #tpu.memory_space<smem>>
    %broadcast_in_dim3A_778 = vector.broadcast %get3A_750 : f32 to vector<20x1024xf32>
    %eq3A_779 = arith.constant 1 : i32
    %eq3A_780 = vector.broadcast %eq3A_779 : i32 to vector<20x1024xi32>
    %eq3A_781 = arith.cmpi eq, %shift_right_arithmetic3A_747, %eq3A_780 : vector<20x1024xi32>
    %broadcast_in_dim3A_782 = vector.broadcast %get3A_753 : f32 to vector<20x1024xf32>
    %select_n3A_783 = arith.select %eq3A_781, %broadcast_in_dim3A_782, %broadcast_in_dim3A_778 : vector<20x1024xi1>, vector<20x1024xf32>
    %eq3A_784 = arith.constant 2 : i32
    %eq3A_785 = vector.broadcast %eq3A_784 : i32 to vector<20x1024xi32>
    %eq3A_786 = arith.cmpi eq, %shift_right_arithmetic3A_747, %eq3A_785 : vector<20x1024xi32>
    %broadcast_in_dim3A_787 = vector.broadcast %get3A_756 : f32 to vector<20x1024xf32>
    %select_n3A_788 = arith.select %eq3A_786, %broadcast_in_dim3A_787, %select_n3A_783 : vector<20x1024xi1>, vector<20x1024xf32>
    %eq3A_789 = arith.constant 3 : i32
    %eq3A_790 = vector.broadcast %eq3A_789 : i32 to vector<20x1024xi32>
    %eq3A_791 = arith.cmpi eq, %shift_right_arithmetic3A_747, %eq3A_790 : vector<20x1024xi32>
    %broadcast_in_dim3A_792 = vector.broadcast %get3A_759 : f32 to vector<20x1024xf32>
    %select_n3A_793 = arith.select %eq3A_791, %broadcast_in_dim3A_792, %select_n3A_788 : vector<20x1024xi1>, vector<20x1024xf32>
    %eq3A_794 = arith.constant 4 : i32
    %eq3A_795 = vector.broadcast %eq3A_794 : i32 to vector<20x1024xi32>
    %eq3A_796 = arith.cmpi eq, %shift_right_arithmetic3A_747, %eq3A_795 : vector<20x1024xi32>
    %broadcast_in_dim3A_797 = vector.broadcast %get3A_762 : f32 to vector<20x1024xf32>
    %select_n3A_798 = arith.select %eq3A_796, %broadcast_in_dim3A_797, %select_n3A_793 : vector<20x1024xi1>, vector<20x1024xf32>
    %eq3A_799 = arith.constant 5 : i32
    %eq3A_800 = vector.broadcast %eq3A_799 : i32 to vector<20x1024xi32>
    %eq3A_801 = arith.cmpi eq, %shift_right_arithmetic3A_747, %eq3A_800 : vector<20x1024xi32>
    %broadcast_in_dim3A_802 = vector.broadcast %get3A_765 : f32 to vector<20x1024xf32>
    %select_n3A_803 = arith.select %eq3A_801, %broadcast_in_dim3A_802, %select_n3A_798 : vector<20x1024xi1>, vector<20x1024xf32>
    %eq3A_804 = arith.constant 6 : i32
    %eq3A_805 = vector.broadcast %eq3A_804 : i32 to vector<20x1024xi32>
    %eq3A_806 = arith.cmpi eq, %shift_right_arithmetic3A_747, %eq3A_805 : vector<20x1024xi32>
    %broadcast_in_dim3A_807 = vector.broadcast %get3A_768 : f32 to vector<20x1024xf32>
    %select_n3A_808 = arith.select %eq3A_806, %broadcast_in_dim3A_807, %select_n3A_803 : vector<20x1024xi1>, vector<20x1024xf32>
    %eq3A_809 = arith.constant 7 : i32
    %eq3A_810 = vector.broadcast %eq3A_809 : i32 to vector<20x1024xi32>
    %eq3A_811 = arith.cmpi eq, %shift_right_arithmetic3A_747, %eq3A_810 : vector<20x1024xi32>
    %broadcast_in_dim3A_812 = vector.broadcast %get3A_771 : f32 to vector<20x1024xf32>
    %select_n3A_813 = arith.select %eq3A_811, %broadcast_in_dim3A_812, %select_n3A_808 : vector<20x1024xi1>, vector<20x1024xf32>
    %eq3A_814 = arith.constant 8 : i32
    %eq3A_815 = vector.broadcast %eq3A_814 : i32 to vector<20x1024xi32>
    %eq3A_816 = arith.cmpi eq, %shift_right_arithmetic3A_747, %eq3A_815 : vector<20x1024xi32>
    %broadcast_in_dim3A_817 = vector.broadcast %get3A_774 : f32 to vector<20x1024xf32>
    %select_n3A_818 = arith.select %eq3A_816, %broadcast_in_dim3A_817, %select_n3A_813 : vector<20x1024xi1>, vector<20x1024xf32>
    %eq3A_819 = arith.constant 9 : i32
    %eq3A_820 = vector.broadcast %eq3A_819 : i32 to vector<20x1024xi32>
    %eq3A_821 = arith.cmpi eq, %shift_right_arithmetic3A_747, %eq3A_820 : vector<20x1024xi32>
    %broadcast_in_dim3A_822 = vector.broadcast %get3A_777 : f32 to vector<20x1024xf32>
    %select_n3A_823 = arith.select %eq3A_821, %broadcast_in_dim3A_822, %select_n3A_818 : vector<20x1024xi1>, vector<20x1024xf32>
    %get3A_824 = arith.constant 2 : index
    %get3A_825 = arith.constant 0 : index
    %get3A_826 = memref.load %arg0[%get3A_824, %get3A_825] : memref<6x10xf32, #tpu.memory_space<smem>>
    %get3A_827 = arith.constant 2 : index
    %get3A_828 = arith.constant 1 : index
    %get3A_829 = memref.load %arg0[%get3A_827, %get3A_828] : memref<6x10xf32, #tpu.memory_space<smem>>
    %get3A_830 = arith.constant 2 : index
    %get3A_831 = arith.constant 2 : index
    %get3A_832 = memref.load %arg0[%get3A_830, %get3A_831] : memref<6x10xf32, #tpu.memory_space<smem>>
    %get3A_833 = arith.constant 2 : index
    %get3A_834 = arith.constant 3 : index
    %get3A_835 = memref.load %arg0[%get3A_833, %get3A_834] : memref<6x10xf32, #tpu.memory_space<smem>>
    %get3A_836 = arith.constant 2 : index
    %get3A_837 = arith.constant 4 : index
    %get3A_838 = memref.load %arg0[%get3A_836, %get3A_837] : memref<6x10xf32, #tpu.memory_space<smem>>
    %get3A_839 = arith.constant 2 : index
    %get3A_840 = arith.constant 5 : index
    %get3A_841 = memref.load %arg0[%get3A_839, %get3A_840] : memref<6x10xf32, #tpu.memory_space<smem>>
    %get3A_842 = arith.constant 2 : index
    %get3A_843 = arith.constant 6 : index
    %get3A_844 = memref.load %arg0[%get3A_842, %get3A_843] : memref<6x10xf32, #tpu.memory_space<smem>>
    %get3A_845 = arith.constant 2 : index
    %get3A_846 = arith.constant 7 : index
    %get3A_847 = memref.load %arg0[%get3A_845, %get3A_846] : memref<6x10xf32, #tpu.memory_space<smem>>
    %get3A_848 = arith.constant 2 : index
    %get3A_849 = arith.constant 8 : index
    %get3A_850 = memref.load %arg0[%get3A_848, %get3A_849] : memref<6x10xf32, #tpu.memory_space<smem>>
    %get3A_851 = arith.constant 2 : index
    %get3A_852 = arith.constant 9 : index
    %get3A_853 = memref.load %arg0[%get3A_851, %get3A_852] : memref<6x10xf32, #tpu.memory_space<smem>>
    %broadcast_in_dim3A_854 = vector.broadcast %get3A_826 : f32 to vector<20x1024xf32>
    %eq3A_855 = arith.constant 1 : i32
    %eq3A_856 = vector.broadcast %eq3A_855 : i32 to vector<20x1024xi32>
    %eq3A_857 = arith.cmpi eq, %shift_right_arithmetic3A_747, %eq3A_856 : vector<20x1024xi32>
    %broadcast_in_dim3A_858 = vector.broadcast %get3A_829 : f32 to vector<20x1024xf32>
    %select_n3A_859 = arith.select %eq3A_857, %broadcast_in_dim3A_858, %broadcast_in_dim3A_854 : vector<20x1024xi1>, vector<20x1024xf32>
    %eq3A_860 = arith.constant 2 : i32
    %eq3A_861 = vector.broadcast %eq3A_860 : i32 to vector<20x1024xi32>
    %eq3A_862 = arith.cmpi eq, %shift_right_arithmetic3A_747, %eq3A_861 : vector<20x1024xi32>
    %broadcast_in_dim3A_863 = vector.broadcast %get3A_832 : f32 to vector<20x1024xf32>
    %select_n3A_864 = arith.select %eq3A_862, %broadcast_in_dim3A_863, %select_n3A_859 : vector<20x1024xi1>, vector<20x1024xf32>
    %eq3A_865 = arith.constant 3 : i32
    %eq3A_866 = vector.broadcast %eq3A_865 : i32 to vector<20x1024xi32>
    %eq3A_867 = arith.cmpi eq, %shift_right_arithmetic3A_747, %eq3A_866 : vector<20x1024xi32>
    %broadcast_in_dim3A_868 = vector.broadcast %get3A_835 : f32 to vector<20x1024xf32>
    %select_n3A_869 = arith.select %eq3A_867, %broadcast_in_dim3A_868, %select_n3A_864 : vector<20x1024xi1>, vector<20x1024xf32>
    %eq3A_870 = arith.constant 4 : i32
    %eq3A_871 = vector.broadcast %eq3A_870 : i32 to vector<20x1024xi32>
    %eq3A_872 = arith.cmpi eq, %shift_right_arithmetic3A_747, %eq3A_871 : vector<20x1024xi32>
    %broadcast_in_dim3A_873 = vector.broadcast %get3A_838 : f32 to vector<20x1024xf32>
    %select_n3A_874 = arith.select %eq3A_872, %broadcast_in_dim3A_873, %select_n3A_869 : vector<20x1024xi1>, vector<20x1024xf32>
    %eq3A_875 = arith.constant 5 : i32
    %eq3A_876 = vector.broadcast %eq3A_875 : i32 to vector<20x1024xi32>
    %eq3A_877 = arith.cmpi eq, %shift_right_arithmetic3A_747, %eq3A_876 : vector<20x1024xi32>
    %broadcast_in_dim3A_878 = vector.broadcast %get3A_841 : f32 to vector<20x1024xf32>
    %select_n3A_879 = arith.select %eq3A_877, %broadcast_in_dim3A_878, %select_n3A_874 : vector<20x1024xi1>, vector<20x1024xf32>
    %eq3A_880 = arith.constant 6 : i32
    %eq3A_881 = vector.broadcast %eq3A_880 : i32 to vector<20x1024xi32>
    %eq3A_882 = arith.cmpi eq, %shift_right_arithmetic3A_747, %eq3A_881 : vector<20x1024xi32>
    %broadcast_in_dim3A_883 = vector.broadcast %get3A_844 : f32 to vector<20x1024xf32>
    %select_n3A_884 = arith.select %eq3A_882, %broadcast_in_dim3A_883, %select_n3A_879 : vector<20x1024xi1>, vector<20x1024xf32>
    %eq3A_885 = arith.constant 7 : i32
    %eq3A_886 = vector.broadcast %eq3A_885 : i32 to vector<20x1024xi32>
    %eq3A_887 = arith.cmpi eq, %shift_right_arithmetic3A_747, %eq3A_886 : vector<20x1024xi32>
    %broadcast_in_dim3A_888 = vector.broadcast %get3A_847 : f32 to vector<20x1024xf32>
    %select_n3A_889 = arith.select %eq3A_887, %broadcast_in_dim3A_888, %select_n3A_884 : vector<20x1024xi1>, vector<20x1024xf32>
    %eq3A_890 = arith.constant 8 : i32
    %eq3A_891 = vector.broadcast %eq3A_890 : i32 to vector<20x1024xi32>
    %eq3A_892 = arith.cmpi eq, %shift_right_arithmetic3A_747, %eq3A_891 : vector<20x1024xi32>
    %broadcast_in_dim3A_893 = vector.broadcast %get3A_850 : f32 to vector<20x1024xf32>
    %select_n3A_894 = arith.select %eq3A_892, %broadcast_in_dim3A_893, %select_n3A_889 : vector<20x1024xi1>, vector<20x1024xf32>
    %eq3A_895 = arith.constant 9 : i32
    %eq3A_896 = vector.broadcast %eq3A_895 : i32 to vector<20x1024xi32>
    %eq3A_897 = arith.cmpi eq, %shift_right_arithmetic3A_747, %eq3A_896 : vector<20x1024xi32>
    %broadcast_in_dim3A_898 = vector.broadcast %get3A_853 : f32 to vector<20x1024xf32>
    %select_n3A_899 = arith.select %eq3A_897, %broadcast_in_dim3A_898, %select_n3A_894 : vector<20x1024xi1>, vector<20x1024xf32>
    %get3A_900 = arith.constant 3 : index
    %get3A_901 = arith.constant 0 : index
    %get3A_902 = memref.load %arg0[%get3A_900, %get3A_901] : memref<6x10xf32, #tpu.memory_space<smem>>
    %get3A_903 = arith.constant 3 : index
    %get3A_904 = arith.constant 1 : index
    %get3A_905 = memref.load %arg0[%get3A_903, %get3A_904] : memref<6x10xf32, #tpu.memory_space<smem>>
    %get3A_906 = arith.constant 3 : index
    %get3A_907 = arith.constant 2 : index
    %get3A_908 = memref.load %arg0[%get3A_906, %get3A_907] : memref<6x10xf32, #tpu.memory_space<smem>>
    %get3A_909 = arith.constant 3 : index
    %get3A_910 = arith.constant 3 : index
    %get3A_911 = memref.load %arg0[%get3A_909, %get3A_910] : memref<6x10xf32, #tpu.memory_space<smem>>
    %get3A_912 = arith.constant 3 : index
    %get3A_913 = arith.constant 4 : index
    %get3A_914 = memref.load %arg0[%get3A_912, %get3A_913] : memref<6x10xf32, #tpu.memory_space<smem>>
    %get3A_915 = arith.constant 3 : index
    %get3A_916 = arith.constant 5 : index
    %get3A_917 = memref.load %arg0[%get3A_915, %get3A_916] : memref<6x10xf32, #tpu.memory_space<smem>>
    %get3A_918 = arith.constant 3 : index
    %get3A_919 = arith.constant 6 : index
    %get3A_920 = memref.load %arg0[%get3A_918, %get3A_919] : memref<6x10xf32, #tpu.memory_space<smem>>
    %get3A_921 = arith.constant 3 : index
    %get3A_922 = arith.constant 7 : index
    %get3A_923 = memref.load %arg0[%get3A_921, %get3A_922] : memref<6x10xf32, #tpu.memory_space<smem>>
    %get3A_924 = arith.constant 3 : index
    %get3A_925 = arith.constant 8 : index
    %get3A_926 = memref.load %arg0[%get3A_924, %get3A_925] : memref<6x10xf32, #tpu.memory_space<smem>>
    %get3A_927 = arith.constant 3 : index
    %get3A_928 = arith.constant 9 : index
    %get3A_929 = memref.load %arg0[%get3A_927, %get3A_928] : memref<6x10xf32, #tpu.memory_space<smem>>
    %broadcast_in_dim3A_930 = vector.broadcast %get3A_902 : f32 to vector<20x1024xf32>
    %eq3A_931 = arith.constant 1 : i32
    %eq3A_932 = vector.broadcast %eq3A_931 : i32 to vector<20x1024xi32>
    %eq3A_933 = arith.cmpi eq, %shift_right_arithmetic3A_747, %eq3A_932 : vector<20x1024xi32>
    %broadcast_in_dim3A_934 = vector.broadcast %get3A_905 : f32 to vector<20x1024xf32>
    %select_n3A_935 = arith.select %eq3A_933, %broadcast_in_dim3A_934, %broadcast_in_dim3A_930 : vector<20x1024xi1>, vector<20x1024xf32>
    %eq3A_936 = arith.constant 2 : i32
    %eq3A_937 = vector.broadcast %eq3A_936 : i32 to vector<20x1024xi32>
    %eq3A_938 = arith.cmpi eq, %shift_right_arithmetic3A_747, %eq3A_937 : vector<20x1024xi32>
    %broadcast_in_dim3A_939 = vector.broadcast %get3A_908 : f32 to vector<20x1024xf32>
    %select_n3A_940 = arith.select %eq3A_938, %broadcast_in_dim3A_939, %select_n3A_935 : vector<20x1024xi1>, vector<20x1024xf32>
    %eq3A_941 = arith.constant 3 : i32
    %eq3A_942 = vector.broadcast %eq3A_941 : i32 to vector<20x1024xi32>
    %eq3A_943 = arith.cmpi eq, %shift_right_arithmetic3A_747, %eq3A_942 : vector<20x1024xi32>
    %broadcast_in_dim3A_944 = vector.broadcast %get3A_911 : f32 to vector<20x1024xf32>
    %select_n3A_945 = arith.select %eq3A_943, %broadcast_in_dim3A_944, %select_n3A_940 : vector<20x1024xi1>, vector<20x1024xf32>
    %eq3A_946 = arith.constant 4 : i32
    %eq3A_947 = vector.broadcast %eq3A_946 : i32 to vector<20x1024xi32>
    %eq3A_948 = arith.cmpi eq, %shift_right_arithmetic3A_747, %eq3A_947 : vector<20x1024xi32>
    %broadcast_in_dim3A_949 = vector.broadcast %get3A_914 : f32 to vector<20x1024xf32>
    %select_n3A_950 = arith.select %eq3A_948, %broadcast_in_dim3A_949, %select_n3A_945 : vector<20x1024xi1>, vector<20x1024xf32>
    %eq3A_951 = arith.constant 5 : i32
    %eq3A_952 = vector.broadcast %eq3A_951 : i32 to vector<20x1024xi32>
    %eq3A_953 = arith.cmpi eq, %shift_right_arithmetic3A_747, %eq3A_952 : vector<20x1024xi32>
    %broadcast_in_dim3A_954 = vector.broadcast %get3A_917 : f32 to vector<20x1024xf32>
    %select_n3A_955 = arith.select %eq3A_953, %broadcast_in_dim3A_954, %select_n3A_950 : vector<20x1024xi1>, vector<20x1024xf32>
    %eq3A_956 = arith.constant 6 : i32
    %eq3A_957 = vector.broadcast %eq3A_956 : i32 to vector<20x1024xi32>
    %eq3A_958 = arith.cmpi eq, %shift_right_arithmetic3A_747, %eq3A_957 : vector<20x1024xi32>
    %broadcast_in_dim3A_959 = vector.broadcast %get3A_920 : f32 to vector<20x1024xf32>
    %select_n3A_960 = arith.select %eq3A_958, %broadcast_in_dim3A_959, %select_n3A_955 : vector<20x1024xi1>, vector<20x1024xf32>
    %eq3A_961 = arith.constant 7 : i32
    %eq3A_962 = vector.broadcast %eq3A_961 : i32 to vector<20x1024xi32>
    %eq3A_963 = arith.cmpi eq, %shift_right_arithmetic3A_747, %eq3A_962 : vector<20x1024xi32>
    %broadcast_in_dim3A_964 = vector.broadcast %get3A_923 : f32 to vector<20x1024xf32>
    %select_n3A_965 = arith.select %eq3A_963, %broadcast_in_dim3A_964, %select_n3A_960 : vector<20x1024xi1>, vector<20x1024xf32>
    %eq3A_966 = arith.constant 8 : i32
    %eq3A_967 = vector.broadcast %eq3A_966 : i32 to vector<20x1024xi32>
    %eq3A_968 = arith.cmpi eq, %shift_right_arithmetic3A_747, %eq3A_967 : vector<20x1024xi32>
    %broadcast_in_dim3A_969 = vector.broadcast %get3A_926 : f32 to vector<20x1024xf32>
    %select_n3A_970 = arith.select %eq3A_968, %broadcast_in_dim3A_969, %select_n3A_965 : vector<20x1024xi1>, vector<20x1024xf32>
    %eq3A_971 = arith.constant 9 : i32
    %eq3A_972 = vector.broadcast %eq3A_971 : i32 to vector<20x1024xi32>
    %eq3A_973 = arith.cmpi eq, %shift_right_arithmetic3A_747, %eq3A_972 : vector<20x1024xi32>
    %broadcast_in_dim3A_974 = vector.broadcast %get3A_929 : f32 to vector<20x1024xf32>
    %select_n3A_975 = arith.select %eq3A_973, %broadcast_in_dim3A_974, %select_n3A_970 : vector<20x1024xi1>, vector<20x1024xf32>
    %exp3A_976 = math.exp %select_n3A_975 : vector<20x1024xf32>
    %get3A_977 = arith.constant 4 : index
    %get3A_978 = arith.constant 0 : index
    %get3A_979 = memref.load %arg0[%get3A_977, %get3A_978] : memref<6x10xf32, #tpu.memory_space<smem>>
    %get3A_980 = arith.constant 4 : index
    %get3A_981 = arith.constant 1 : index
    %get3A_982 = memref.load %arg0[%get3A_980, %get3A_981] : memref<6x10xf32, #tpu.memory_space<smem>>
    %get3A_983 = arith.constant 4 : index
    %get3A_984 = arith.constant 2 : index
    %get3A_985 = memref.load %arg0[%get3A_983, %get3A_984] : memref<6x10xf32, #tpu.memory_space<smem>>
    %get3A_986 = arith.constant 4 : index
    %get3A_987 = arith.constant 3 : index
    %get3A_988 = memref.load %arg0[%get3A_986, %get3A_987] : memref<6x10xf32, #tpu.memory_space<smem>>
    %get3A_989 = arith.constant 4 : index
    %get3A_990 = arith.constant 4 : index
    %get3A_991 = memref.load %arg0[%get3A_989, %get3A_990] : memref<6x10xf32, #tpu.memory_space<smem>>
    %get3A_992 = arith.constant 4 : index
    %get3A_993 = arith.constant 5 : index
    %get3A_994 = memref.load %arg0[%get3A_992, %get3A_993] : memref<6x10xf32, #tpu.memory_space<smem>>
    %get3A_995 = arith.constant 4 : index
    %get3A_996 = arith.constant 6 : index
    %get3A_997 = memref.load %arg0[%get3A_995, %get3A_996] : memref<6x10xf32, #tpu.memory_space<smem>>
    %get3A_998 = arith.constant 4 : index
    %get3A_999 = arith.constant 7 : index
    %get3A_1000 = memref.load %arg0[%get3A_998, %get3A_999] : memref<6x10xf32, #tpu.memory_space<smem>>
    %get3A_1001 = arith.constant 4 : index
    %get3A_1002 = arith.constant 8 : index
    %get3A_1003 = memref.load %arg0[%get3A_1001, %get3A_1002] : memref<6x10xf32, #tpu.memory_space<smem>>
    %get3A_1004 = arith.constant 4 : index
    %get3A_1005 = arith.constant 9 : index
    %get3A_1006 = memref.load %arg0[%get3A_1004, %get3A_1005] : memref<6x10xf32, #tpu.memory_space<smem>>
    %broadcast_in_dim3A_1007 = vector.broadcast %get3A_979 : f32 to vector<20x1024xf32>
    %eq3A_1008 = arith.constant 1 : i32
    %eq3A_1009 = vector.broadcast %eq3A_1008 : i32 to vector<20x1024xi32>
    %eq3A_1010 = arith.cmpi eq, %shift_right_arithmetic3A_747, %eq3A_1009 : vector<20x1024xi32>
    %broadcast_in_dim3A_1011 = vector.broadcast %get3A_982 : f32 to vector<20x1024xf32>
    %select_n3A_1012 = arith.select %eq3A_1010, %broadcast_in_dim3A_1011, %broadcast_in_dim3A_1007 : vector<20x1024xi1>, vector<20x1024xf32>
    %eq3A_1013 = arith.constant 2 : i32
    %eq3A_1014 = vector.broadcast %eq3A_1013 : i32 to vector<20x1024xi32>
    %eq3A_1015 = arith.cmpi eq, %shift_right_arithmetic3A_747, %eq3A_1014 : vector<20x1024xi32>
    %broadcast_in_dim3A_1016 = vector.broadcast %get3A_985 : f32 to vector<20x1024xf32>
    %select_n3A_1017 = arith.select %eq3A_1015, %broadcast_in_dim3A_1016, %select_n3A_1012 : vector<20x1024xi1>, vector<20x1024xf32>
    %eq3A_1018 = arith.constant 3 : i32
    %eq3A_1019 = vector.broadcast %eq3A_1018 : i32 to vector<20x1024xi32>
    %eq3A_1020 = arith.cmpi eq, %shift_right_arithmetic3A_747, %eq3A_1019 : vector<20x1024xi32>
    %broadcast_in_dim3A_1021 = vector.broadcast %get3A_988 : f32 to vector<20x1024xf32>
    %select_n3A_1022 = arith.select %eq3A_1020, %broadcast_in_dim3A_1021, %select_n3A_1017 : vector<20x1024xi1>, vector<20x1024xf32>
    %eq3A_1023 = arith.constant 4 : i32
    %eq3A_1024 = vector.broadcast %eq3A_1023 : i32 to vector<20x1024xi32>
    %eq3A_1025 = arith.cmpi eq, %shift_right_arithmetic3A_747, %eq3A_1024 : vector<20x1024xi32>
    %broadcast_in_dim3A_1026 = vector.broadcast %get3A_991 : f32 to vector<20x1024xf32>
    %select_n3A_1027 = arith.select %eq3A_1025, %broadcast_in_dim3A_1026, %select_n3A_1022 : vector<20x1024xi1>, vector<20x1024xf32>
    %eq3A_1028 = arith.constant 5 : i32
    %eq3A_1029 = vector.broadcast %eq3A_1028 : i32 to vector<20x1024xi32>
    %eq3A_1030 = arith.cmpi eq, %shift_right_arithmetic3A_747, %eq3A_1029 : vector<20x1024xi32>
    %broadcast_in_dim3A_1031 = vector.broadcast %get3A_994 : f32 to vector<20x1024xf32>
    %select_n3A_1032 = arith.select %eq3A_1030, %broadcast_in_dim3A_1031, %select_n3A_1027 : vector<20x1024xi1>, vector<20x1024xf32>
    %eq3A_1033 = arith.constant 6 : i32
    %eq3A_1034 = vector.broadcast %eq3A_1033 : i32 to vector<20x1024xi32>
    %eq3A_1035 = arith.cmpi eq, %shift_right_arithmetic3A_747, %eq3A_1034 : vector<20x1024xi32>
    %broadcast_in_dim3A_1036 = vector.broadcast %get3A_997 : f32 to vector<20x1024xf32>
    %select_n3A_1037 = arith.select %eq3A_1035, %broadcast_in_dim3A_1036, %select_n3A_1032 : vector<20x1024xi1>, vector<20x1024xf32>
    %eq3A_1038 = arith.constant 7 : i32
    %eq3A_1039 = vector.broadcast %eq3A_1038 : i32 to vector<20x1024xi32>
    %eq3A_1040 = arith.cmpi eq, %shift_right_arithmetic3A_747, %eq3A_1039 : vector<20x1024xi32>
    %broadcast_in_dim3A_1041 = vector.broadcast %get3A_1000 : f32 to vector<20x1024xf32>
    %select_n3A_1042 = arith.select %eq3A_1040, %broadcast_in_dim3A_1041, %select_n3A_1037 : vector<20x1024xi1>, vector<20x1024xf32>
    %eq3A_1043 = arith.constant 8 : i32
    %eq3A_1044 = vector.broadcast %eq3A_1043 : i32 to vector<20x1024xi32>
    %eq3A_1045 = arith.cmpi eq, %shift_right_arithmetic3A_747, %eq3A_1044 : vector<20x1024xi32>
    %broadcast_in_dim3A_1046 = vector.broadcast %get3A_1003 : f32 to vector<20x1024xf32>
    %select_n3A_1047 = arith.select %eq3A_1045, %broadcast_in_dim3A_1046, %select_n3A_1042 : vector<20x1024xi1>, vector<20x1024xf32>
    %eq3A_1048 = arith.constant 9 : i32
    %eq3A_1049 = vector.broadcast %eq3A_1048 : i32 to vector<20x1024xi32>
    %eq3A_1050 = arith.cmpi eq, %shift_right_arithmetic3A_747, %eq3A_1049 : vector<20x1024xi32>
    %broadcast_in_dim3A_1051 = vector.broadcast %get3A_1006 : f32 to vector<20x1024xf32>
    %select_n3A_1052 = arith.select %eq3A_1050, %broadcast_in_dim3A_1051, %select_n3A_1047 : vector<20x1024xi1>, vector<20x1024xf32>
    %exp3A_1053 = math.exp %select_n3A_1052 : vector<20x1024xf32>
    %get3A_1054 = arith.constant 5 : index
    %get3A_1055 = arith.constant 0 : index
    %get3A_1056 = memref.load %arg0[%get3A_1054, %get3A_1055] : memref<6x10xf32, #tpu.memory_space<smem>>
    %get3A_1057 = arith.constant 5 : index
    %get3A_1058 = arith.constant 1 : index
    %get3A_1059 = memref.load %arg0[%get3A_1057, %get3A_1058] : memref<6x10xf32, #tpu.memory_space<smem>>
    %get3A_1060 = arith.constant 5 : index
    %get3A_1061 = arith.constant 2 : index
    %get3A_1062 = memref.load %arg0[%get3A_1060, %get3A_1061] : memref<6x10xf32, #tpu.memory_space<smem>>
    %get3A_1063 = arith.constant 5 : index
    %get3A_1064 = arith.constant 3 : index
    %get3A_1065 = memref.load %arg0[%get3A_1063, %get3A_1064] : memref<6x10xf32, #tpu.memory_space<smem>>
    %get3A_1066 = arith.constant 5 : index
    %get3A_1067 = arith.constant 4 : index
    %get3A_1068 = memref.load %arg0[%get3A_1066, %get3A_1067] : memref<6x10xf32, #tpu.memory_space<smem>>
    %get3A_1069 = arith.constant 5 : index
    %get3A_1070 = arith.constant 5 : index
    %get3A_1071 = memref.load %arg0[%get3A_1069, %get3A_1070] : memref<6x10xf32, #tpu.memory_space<smem>>
    %get3A_1072 = arith.constant 5 : index
    %get3A_1073 = arith.constant 6 : index
    %get3A_1074 = memref.load %arg0[%get3A_1072, %get3A_1073] : memref<6x10xf32, #tpu.memory_space<smem>>
    %get3A_1075 = arith.constant 5 : index
    %get3A_1076 = arith.constant 7 : index
    %get3A_1077 = memref.load %arg0[%get3A_1075, %get3A_1076] : memref<6x10xf32, #tpu.memory_space<smem>>
    %get3A_1078 = arith.constant 5 : index
    %get3A_1079 = arith.constant 8 : index
    %get3A_1080 = memref.load %arg0[%get3A_1078, %get3A_1079] : memref<6x10xf32, #tpu.memory_space<smem>>
    %get3A_1081 = arith.constant 5 : index
    %get3A_1082 = arith.constant 9 : index
    %get3A_1083 = memref.load %arg0[%get3A_1081, %get3A_1082] : memref<6x10xf32, #tpu.memory_space<smem>>
    %broadcast_in_dim3A_1084 = vector.broadcast %get3A_1056 : f32 to vector<20x1024xf32>
    %eq3A_1085 = arith.constant 1 : i32
    %eq3A_1086 = vector.broadcast %eq3A_1085 : i32 to vector<20x1024xi32>
    %eq3A_1087 = arith.cmpi eq, %shift_right_arithmetic3A_747, %eq3A_1086 : vector<20x1024xi32>
    %broadcast_in_dim3A_1088 = vector.broadcast %get3A_1059 : f32 to vector<20x1024xf32>
    %select_n3A_1089 = arith.select %eq3A_1087, %broadcast_in_dim3A_1088, %broadcast_in_dim3A_1084 : vector<20x1024xi1>, vector<20x1024xf32>
    %eq3A_1090 = arith.constant 2 : i32
    %eq3A_1091 = vector.broadcast %eq3A_1090 : i32 to vector<20x1024xi32>
    %eq3A_1092 = arith.cmpi eq, %shift_right_arithmetic3A_747, %eq3A_1091 : vector<20x1024xi32>
    %broadcast_in_dim3A_1093 = vector.broadcast %get3A_1062 : f32 to vector<20x1024xf32>
    %select_n3A_1094 = arith.select %eq3A_1092, %broadcast_in_dim3A_1093, %select_n3A_1089 : vector<20x1024xi1>, vector<20x1024xf32>
    %eq3A_1095 = arith.constant 3 : i32
    %eq3A_1096 = vector.broadcast %eq3A_1095 : i32 to vector<20x1024xi32>
    %eq3A_1097 = arith.cmpi eq, %shift_right_arithmetic3A_747, %eq3A_1096 : vector<20x1024xi32>
    %broadcast_in_dim3A_1098 = vector.broadcast %get3A_1065 : f32 to vector<20x1024xf32>
    %select_n3A_1099 = arith.select %eq3A_1097, %broadcast_in_dim3A_1098, %select_n3A_1094 : vector<20x1024xi1>, vector<20x1024xf32>
    %eq3A_1100 = arith.constant 4 : i32
    %eq3A_1101 = vector.broadcast %eq3A_1100 : i32 to vector<20x1024xi32>
    %eq3A_1102 = arith.cmpi eq, %shift_right_arithmetic3A_747, %eq3A_1101 : vector<20x1024xi32>
    %broadcast_in_dim3A_1103 = vector.broadcast %get3A_1068 : f32 to vector<20x1024xf32>
    %select_n3A_1104 = arith.select %eq3A_1102, %broadcast_in_dim3A_1103, %select_n3A_1099 : vector<20x1024xi1>, vector<20x1024xf32>
    %eq3A_1105 = arith.constant 5 : i32
    %eq3A_1106 = vector.broadcast %eq3A_1105 : i32 to vector<20x1024xi32>
    %eq3A_1107 = arith.cmpi eq, %shift_right_arithmetic3A_747, %eq3A_1106 : vector<20x1024xi32>
    %broadcast_in_dim3A_1108 = vector.broadcast %get3A_1071 : f32 to vector<20x1024xf32>
    %select_n3A_1109 = arith.select %eq3A_1107, %broadcast_in_dim3A_1108, %select_n3A_1104 : vector<20x1024xi1>, vector<20x1024xf32>
    %eq3A_1110 = arith.constant 6 : i32
    %eq3A_1111 = vector.broadcast %eq3A_1110 : i32 to vector<20x1024xi32>
    %eq3A_1112 = arith.cmpi eq, %shift_right_arithmetic3A_747, %eq3A_1111 : vector<20x1024xi32>
    %broadcast_in_dim3A_1113 = vector.broadcast %get3A_1074 : f32 to vector<20x1024xf32>
    %select_n3A_1114 = arith.select %eq3A_1112, %broadcast_in_dim3A_1113, %select_n3A_1109 : vector<20x1024xi1>, vector<20x1024xf32>
    %eq3A_1115 = arith.constant 7 : i32
    %eq3A_1116 = vector.broadcast %eq3A_1115 : i32 to vector<20x1024xi32>
    %eq3A_1117 = arith.cmpi eq, %shift_right_arithmetic3A_747, %eq3A_1116 : vector<20x1024xi32>
    %broadcast_in_dim3A_1118 = vector.broadcast %get3A_1077 : f32 to vector<20x1024xf32>
    %select_n3A_1119 = arith.select %eq3A_1117, %broadcast_in_dim3A_1118, %select_n3A_1114 : vector<20x1024xi1>, vector<20x1024xf32>
    %eq3A_1120 = arith.constant 8 : i32
    %eq3A_1121 = vector.broadcast %eq3A_1120 : i32 to vector<20x1024xi32>
    %eq3A_1122 = arith.cmpi eq, %shift_right_arithmetic3A_747, %eq3A_1121 : vector<20x1024xi32>
    %broadcast_in_dim3A_1123 = vector.broadcast %get3A_1080 : f32 to vector<20x1024xf32>
    %select_n3A_1124 = arith.select %eq3A_1122, %broadcast_in_dim3A_1123, %select_n3A_1119 : vector<20x1024xi1>, vector<20x1024xf32>
    %eq3A_1125 = arith.constant 9 : i32
    %eq3A_1126 = vector.broadcast %eq3A_1125 : i32 to vector<20x1024xi32>
    %eq3A_1127 = arith.cmpi eq, %shift_right_arithmetic3A_747, %eq3A_1126 : vector<20x1024xi32>
    %broadcast_in_dim3A_1128 = vector.broadcast %get3A_1083 : f32 to vector<20x1024xf32>
    %select_n3A_1129 = arith.select %eq3A_1127, %broadcast_in_dim3A_1128, %select_n3A_1124 : vector<20x1024xi1>, vector<20x1024xf32>
    %tanh3A = math.tanh %select_n3A_1129 : vector<20x1024xf32>
    %mul3A_1130 = arith.mulf %tanh3A, %exp3A_976 : vector<20x1024xf32>
    %mul3A_1131 = arith.mulf %mul3A_1130, %exp3A_1053 : vector<20x1024xf32>
    %mul3A_1132 = arith.mulf %exp3A_976, %exp3A_976 : vector<20x1024xf32>
    %sqrt3A = math.sqrt %mul3A_1132 : vector<20x1024xf32>
    %div3A_1133 = arith.divf %mul3A_1131, %sqrt3A : vector<20x1024xf32>
    %mul3A_1134 = arith.mulf %exp3A_1053, %exp3A_1053 : vector<20x1024xf32>
    %mul3A_1135 = arith.mulf %div3A_1133, %div3A_1133 : vector<20x1024xf32>
    %sub3A_1136 = arith.subf %mul3A_1134, %mul3A_1135 : vector<20x1024xf32>
    %sqrt3A_1137 = math.sqrt %sub3A_1136 : vector<20x1024xf32>
    %get3A_1138 = arith.constant 0 : index
    %get3A_1139 = arith.constant 0 : index
    %get3A_1140 = arith.constant 0 : index
    %get3A_1141 = vector.load %arg2[%get3A_1138, %get3A_1139, %get3A_1140] : memref<2x20x1024xf32, #tpu.memory_space<vmem>>, vector<1x20x1024xf32>
    %get3A_1142 = vector.shape_cast %get3A_1141 : vector<1x20x1024xf32> to vector<20x1024xf32>
    %get3A_1143 = arith.constant 1 : index
    %get3A_1144 = arith.constant 0 : index
    %get3A_1145 = arith.constant 0 : index
    %get3A_1146 = vector.load %arg2[%get3A_1143, %get3A_1144, %get3A_1145] : memref<2x20x1024xf32, #tpu.memory_space<vmem>>, vector<1x20x1024xf32>
    %get3A_1147 = vector.shape_cast %get3A_1146 : vector<1x20x1024xf32> to vector<20x1024xf32>
    %mul3A_1148 = arith.mulf %sqrt3A, %get3A_1142 : vector<20x1024xf32>
    %add3A_1149 = arith.addf %select_n3A_823, %mul3A_1148 : vector<20x1024xf32>
    %mul3A_1150 = arith.mulf %div3A_1133, %get3A_1142 : vector<20x1024xf32>
    %mul3A_1151 = arith.mulf %sqrt3A_1137, %get3A_1147 : vector<20x1024xf32>
    %add3A_1152 = arith.addf %mul3A_1150, %mul3A_1151 : vector<20x1024xf32>
    %add3A_1153 = arith.addf %select_n3A_899, %add3A_1152 : vector<20x1024xf32>
    %sub3A_1154 = arith.subf %add3A_1149, %select_n3A_823 : vector<20x1024xf32>
    %sub3A_1155 = arith.subf %add3A_1153, %select_n3A_899 : vector<20x1024xf32>
    %div3A_1156 = arith.divf %sub3A_1154, %sqrt3A : vector<20x1024xf32>
    %mul3A_1157 = arith.mulf %div3A_1133, %div3A_1156 : vector<20x1024xf32>
    %sub3A_1158 = arith.subf %sub3A_1155, %mul3A_1157 : vector<20x1024xf32>
    %div3A_1159 = arith.divf %sub3A_1158, %sqrt3A_1137 : vector<20x1024xf32>
    %mul3A_1160 = arith.mulf %div3A_1156, %div3A_1156 : vector<20x1024xf32>
    %mul3A_1161 = arith.mulf %div3A_1159, %div3A_1159 : vector<20x1024xf32>
    %add3A_1162 = arith.addf %mul3A_1160, %mul3A_1161 : vector<20x1024xf32>
    %mul3A_1163 = arith.constant -5.000000e-01 : f32
    %mul3A_1164 = vector.broadcast %mul3A_1163 : f32 to vector<20x1024xf32>
    %mul3A_1165 = arith.mulf %mul3A_1164, %add3A_1162 : vector<20x1024xf32>
    %log3A_1166 = math.log %sqrt3A : vector<20x1024xf32>
    %sub3A_1167 = arith.subf %mul3A_1165, %log3A_1166 : vector<20x1024xf32>
    %log3A_1168 = math.log %sqrt3A_1137 : vector<20x1024xf32>
    %sub3A_1169 = arith.subf %sub3A_1167, %log3A_1168 : vector<20x1024xf32>
    %sub3A_1170 = arith.constant 1.83787704 : f32
    %sub3A_1171 = vector.broadcast %sub3A_1170 : f32 to vector<20x1024xf32>
    %sub3A_1172 = arith.subf %sub3A_1169, %sub3A_1171 : vector<20x1024xf32>
    %tanh3A_1173 = math.tanh %add3A_1149 : vector<20x1024xf32>
    %tanh3A_1174 = math.tanh %add3A_1153 : vector<20x1024xf32>
    %add3A_1175 = arith.constant 1.000000e+00 : f32
    %add3A_1176 = vector.broadcast %add3A_1175 : f32 to vector<20x1024xf32>
    %add3A_1177 = arith.addf %tanh3A_1173, %add3A_1176 : vector<20x1024xf32>
    %mul3A_1178 = arith.constant 2.240000e+02 : f32
    %mul3A_1179 = vector.broadcast %mul3A_1178 : f32 to vector<20x1024xf32>
    %mul3A_1180 = arith.mulf %add3A_1177, %mul3A_1179 : vector<20x1024xf32>
    %mul3A_1181 = arith.constant 5.000000e-01 : f32
    %mul3A_1182 = vector.broadcast %mul3A_1181 : f32 to vector<20x1024xf32>
    %mul3A_1183 = arith.mulf %mul3A_1182, %mul3A_1180 : vector<20x1024xf32>
    %sub3A_1184 = arith.constant 1.000000e-01 : f32
    %sub3A_1185 = vector.broadcast %sub3A_1184 : f32 to vector<20x1024xf32>
    %sub3A_1186 = arith.subf %mul3A_1183, %sub3A_1185 : vector<20x1024xf32>
    %convert_element_type3A = arith.fptosi %sub3A_1186 : vector<20x1024xf32> to vector<20x1024xi32>
    %add3A_1187 = arith.constant 1.000000e+00 : f32
    %add3A_1188 = vector.broadcast %add3A_1187 : f32 to vector<20x1024xf32>
    %add3A_1189 = arith.addf %tanh3A_1174, %add3A_1188 : vector<20x1024xf32>
    %mul3A_1190 = arith.constant 2.240000e+02 : f32
    %mul3A_1191 = vector.broadcast %mul3A_1190 : f32 to vector<20x1024xf32>
    %mul3A_1192 = arith.mulf %add3A_1189, %mul3A_1191 : vector<20x1024xf32>
    %mul3A_1193 = arith.constant 5.000000e-01 : f32
    %mul3A_1194 = vector.broadcast %mul3A_1193 : f32 to vector<20x1024xf32>
    %mul3A_1195 = arith.mulf %mul3A_1194, %mul3A_1192 : vector<20x1024xf32>
    %sub3A_1196 = arith.constant 1.000000e-01 : f32
    %sub3A_1197 = vector.broadcast %sub3A_1196 : f32 to vector<20x1024xf32>
    %sub3A_1198 = arith.subf %mul3A_1195, %sub3A_1197 : vector<20x1024xf32>
    %convert_element_type3A_1199 = arith.fptosi %sub3A_1198 : vector<20x1024xf32> to vector<20x1024xi32>
    %mul3A_1200 = arith.constant 224 : i32
    %mul3A_1201 = vector.broadcast %mul3A_1200 : i32 to vector<20x1024xi32>
    %mul3A_1202 = arith.muli %iota3A_740, %mul3A_1201 : vector<20x1024xi32>
    %add3A_1203 = arith.addi %mul3A_1202, %convert_element_type3A : vector<20x1024xi32>
    %swap3A = arith.constant 0 : index
    %swap3A_1204 = arith.constant 0 : index
    %swap3A_1205 = vector.load %arg3[%swap3A, %swap3A_1204] : memref<20x1024xi32, #tpu.memory_space<vmem>>, vector<20x1024xi32>
    tpu.vector_store %arg3[%swap3A, %swap3A_1204], %add3A_1203 {strides = array<i32>} : memref<20x1024xi32, #tpu.memory_space<vmem>>, vector<20x1024xi32>,
    %swap3A_1206 = arith.constant 0 : index
    %swap3A_1207 = arith.constant 0 : index
    %swap3A_1208 = vector.load %arg4[%swap3A_1206, %swap3A_1207] : memref<20x1024xi32, #tpu.memory_space<vmem>>, vector<20x1024xi32>
    tpu.vector_store %arg4[%swap3A_1206, %swap3A_1207], %convert_element_type3A_1199 {strides = array<i32>} : memref<20x1024xi32, #tpu.memory_space<vmem>>, vector<20x1024xi32>,
    %swap3A_1209 = arith.constant 0 : index
    %swap3A_1210 = arith.constant 0 : index
    %swap3A_1211 = vector.load %arg5[%swap3A_1209, %swap3A_1210] : memref<20x1024xf32, #tpu.memory_space<vmem>>, vector<20x1024xf32>
    tpu.vector_store %arg5[%swap3A_1209, %swap3A_1210], %tanh3A_1173 {strides = array<i32>} : memref<20x1024xf32, #tpu.memory_space<vmem>>, vector<20x1024xf32>,
    %swap3A_1212 = arith.constant 0 : index
    %swap3A_1213 = arith.constant 0 : index
    %swap3A_1214 = vector.load %arg6[%swap3A_1212, %swap3A_1213] : memref<20x1024xf32, #tpu.memory_space<vmem>>, vector<20x1024xf32>
    tpu.vector_store %arg6[%swap3A_1212, %swap3A_1213], %tanh3A_1174 {strides = array<i32>} : memref<20x1024xf32, #tpu.memory_space<vmem>>, vector<20x1024xf32>,
    %reduce_sum3A = arith.constant dense<0.000000e+00> : vector<1024xf32>
    %reduce_sum3A_1215 = vector.multi_reduction <add>, %sub3A_1172, %reduce_sum3A [0] : vector<20x1024xf32> to vector<1024xf32>
    %broadcast_in_dim3A_1216 = vector.shape_cast %reduce_sum3A_1215 : vector<1024xf32> to vector<1x1024xf32>
    %swap3A_1217 = arith.constant 0 : index
    %swap3A_1218 = arith.constant 0 : index
    %swap3A_1219 = vector.load %arg7[%swap3A_1217, %swap3A_1218] : memref<1x1024xf32, #tpu.memory_space<vmem>>, vector<1x1024xf32>
    tpu.vector_store %arg7[%swap3A_1217, %swap3A_1218], %broadcast_in_dim3A_1216 {strides = array<i32>} : memref<1x1024xf32, #tpu.memory_space<vmem>>, vector<1x1024xf32>,
    return
  }
}

module attributes {stable_mosaic.version = 14 : i64} {
  func.func @_gcn_body(%arg0: memref<1024x20xf32, #tpu.memory_space<vmem>>, %arg1: memref<1024x20xf32, #tpu.memory_space<vmem>>, %arg2: memref<1024x20xf32, #tpu.memory_space<vmem>>, %arg3: memref<3x100xf32, #tpu.memory_space<vmem>>, %arg4: memref<1x100xf32, #tpu.memory_space<vmem>>, %arg5: memref<100x10xf32, #tpu.memory_space<vmem>>, %arg6: memref<1x10xf32, #tpu.memory_space<vmem>>, %arg7: memref<200x10xf32, #tpu.memory_space<vmem>>, %arg8: memref<1x10xf32, #tpu.memory_space<vmem>>, %arg9: memref<1024x10xf32, #tpu.memory_space<vmem>>) attributes {dimension_semantics = [], scalar_prefetch = 0 : i64, scratch_operands = 0 : i64, tpu.core_type = #tpu.core_type<tc>} {
    %get3A = arith.constant 0 : index
    %get3A_0 = arith.constant 0 : index
    %get3A_1 = vector.load %arg3[%get3A, %get3A_0] : memref<3x100xf32, #tpu.memory_space<vmem>>, vector<3x100xf32>
    %get3A_2 = arith.constant 0 : index
    %get3A_3 = arith.constant 0 : index
    %get3A_4 = vector.load %arg0[%get3A_2, %get3A_3] : memref<1024x20xf32, #tpu.memory_space<vmem>>, vector<1024x1xf32>
    %get3A_5 = arith.constant 0 : index
    %get3A_6 = arith.constant 0 : index
    %get3A_7 = vector.load %arg1[%get3A_5, %get3A_6] : memref<1024x20xf32, #tpu.memory_space<vmem>>, vector<1024x1xf32>
    %get3A_8 = arith.constant 0 : index
    %get3A_9 = arith.constant 0 : index
    %get3A_10 = vector.load %arg2[%get3A_8, %get3A_9] : memref<1024x20xf32, #tpu.memory_space<vmem>>, vector<1024x1xf32>
    %concatenate3A = tpu.concatenate %get3A_4, %get3A_7, %get3A_10 in 1 : vector<1024x1xf32>, vector<1024x1xf32>, vector<1024x1xf32> -> vector<1024x3xf32>
    %dot_general3A = arith.constant dense<0.000000e+00> : vector<1024x100xf32>
    %dot_general3A_11 = tpu.matmul %concatenate3A, %get3A_1, %dot_general3A {dimension_numbers = #tpu.dot_dimension_numbers<[1], [0], [0], [1], [0, 0, 1, 1], [], []>, transpose_lhs_hint = false} : vector<1024x3xf32>, vector<3x100xf32>, vector<1024x100xf32> -> vector<1024x100xf32>
    %convert_element_type3A = arith.truncf %dot_general3A_11 : vector<1024x100xf32> to vector<1024x100xbf16>
    %convert_element_type3A_12 = arith.extf %convert_element_type3A : vector<1024x100xbf16> to vector<1024x100xf32>
    %get3A_13 = arith.constant 0 : index
    %get3A_14 = arith.constant 1 : index
    %get3A_15 = vector.load %arg0[%get3A_13, %get3A_14] : memref<1024x20xf32, #tpu.memory_space<vmem>>, vector<1024x1xf32>
    %get3A_16 = arith.constant 0 : index
    %get3A_17 = arith.constant 1 : index
    %get3A_18 = vector.load %arg1[%get3A_16, %get3A_17] : memref<1024x20xf32, #tpu.memory_space<vmem>>, vector<1024x1xf32>
    %get3A_19 = arith.constant 0 : index
    %get3A_20 = arith.constant 1 : index
    %get3A_21 = vector.load %arg2[%get3A_19, %get3A_20] : memref<1024x20xf32, #tpu.memory_space<vmem>>, vector<1024x1xf32>
    %concatenate3A_22 = tpu.concatenate %get3A_15, %get3A_18, %get3A_21 in 1 : vector<1024x1xf32>, vector<1024x1xf32>, vector<1024x1xf32> -> vector<1024x3xf32>
    %dot_general3A_23 = arith.constant dense<0.000000e+00> : vector<1024x100xf32>
    %dot_general3A_24 = tpu.matmul %concatenate3A_22, %get3A_1, %dot_general3A_23 {dimension_numbers = #tpu.dot_dimension_numbers<[1], [0], [0], [1], [0, 0, 1, 1], [], []>, transpose_lhs_hint = false} : vector<1024x3xf32>, vector<3x100xf32>, vector<1024x100xf32> -> vector<1024x100xf32>
    %convert_element_type3A_25 = arith.truncf %dot_general3A_24 : vector<1024x100xf32> to vector<1024x100xbf16>
    %convert_element_type3A_26 = arith.extf %convert_element_type3A_25 : vector<1024x100xbf16> to vector<1024x100xf32>
    %add3A = arith.addf %convert_element_type3A_12, %convert_element_type3A_26 : vector<1024x100xf32>
    %get3A_27 = arith.constant 0 : index
    %get3A_28 = arith.constant 2 : index
    %get3A_29 = vector.load %arg0[%get3A_27, %get3A_28] : memref<1024x20xf32, #tpu.memory_space<vmem>>, vector<1024x1xf32>
    %get3A_30 = arith.constant 0 : index
    %get3A_31 = arith.constant 2 : index
    %get3A_32 = vector.load %arg1[%get3A_30, %get3A_31] : memref<1024x20xf32, #tpu.memory_space<vmem>>, vector<1024x1xf32>
    %get3A_33 = arith.constant 0 : index
    %get3A_34 = arith.constant 2 : index
    %get3A_35 = vector.load %arg2[%get3A_33, %get3A_34] : memref<1024x20xf32, #tpu.memory_space<vmem>>, vector<1024x1xf32>
    %concatenate3A_36 = tpu.concatenate %get3A_29, %get3A_32, %get3A_35 in 1 : vector<1024x1xf32>, vector<1024x1xf32>, vector<1024x1xf32> -> vector<1024x3xf32>
    %dot_general3A_37 = arith.constant dense<0.000000e+00> : vector<1024x100xf32>
    %dot_general3A_38 = tpu.matmul %concatenate3A_36, %get3A_1, %dot_general3A_37 {dimension_numbers = #tpu.dot_dimension_numbers<[1], [0], [0], [1], [0, 0, 1, 1], [], []>, transpose_lhs_hint = false} : vector<1024x3xf32>, vector<3x100xf32>, vector<1024x100xf32> -> vector<1024x100xf32>
    %convert_element_type3A_39 = arith.truncf %dot_general3A_38 : vector<1024x100xf32> to vector<1024x100xbf16>
    %convert_element_type3A_40 = arith.extf %convert_element_type3A_39 : vector<1024x100xbf16> to vector<1024x100xf32>
    %add3A_41 = arith.addf %add3A, %convert_element_type3A_40 : vector<1024x100xf32>
    %get3A_42 = arith.constant 0 : index
    %get3A_43 = arith.constant 3 : index
    %get3A_44 = vector.load %arg0[%get3A_42, %get3A_43] : memref<1024x20xf32, #tpu.memory_space<vmem>>, vector<1024x1xf32>
    %get3A_45 = arith.constant 0 : index
    %get3A_46 = arith.constant 3 : index
    %get3A_47 = vector.load %arg1[%get3A_45, %get3A_46] : memref<1024x20xf32, #tpu.memory_space<vmem>>, vector<1024x1xf32>
    %get3A_48 = arith.constant 0 : index
    %get3A_49 = arith.constant 3 : index
    %get3A_50 = vector.load %arg2[%get3A_48, %get3A_49] : memref<1024x20xf32, #tpu.memory_space<vmem>>, vector<1024x1xf32>
    %concatenate3A_51 = tpu.concatenate %get3A_44, %get3A_47, %get3A_50 in 1 : vector<1024x1xf32>, vector<1024x1xf32>, vector<1024x1xf32> -> vector<1024x3xf32>
    %dot_general3A_52 = arith.constant dense<0.000000e+00> : vector<1024x100xf32>
    %dot_general3A_53 = tpu.matmul %concatenate3A_51, %get3A_1, %dot_general3A_52 {dimension_numbers = #tpu.dot_dimension_numbers<[1], [0], [0], [1], [0, 0, 1, 1], [], []>, transpose_lhs_hint = false} : vector<1024x3xf32>, vector<3x100xf32>, vector<1024x100xf32> -> vector<1024x100xf32>
    %convert_element_type3A_54 = arith.truncf %dot_general3A_53 : vector<1024x100xf32> to vector<1024x100xbf16>
    %convert_element_type3A_55 = arith.extf %convert_element_type3A_54 : vector<1024x100xbf16> to vector<1024x100xf32>
    %add3A_56 = arith.addf %add3A_41, %convert_element_type3A_55 : vector<1024x100xf32>
    %get3A_57 = arith.constant 0 : index
    %get3A_58 = arith.constant 4 : index
    %get3A_59 = vector.load %arg0[%get3A_57, %get3A_58] : memref<1024x20xf32, #tpu.memory_space<vmem>>, vector<1024x1xf32>
    %get3A_60 = arith.constant 0 : index
    %get3A_61 = arith.constant 4 : index
    %get3A_62 = vector.load %arg1[%get3A_60, %get3A_61] : memref<1024x20xf32, #tpu.memory_space<vmem>>, vector<1024x1xf32>
    %get3A_63 = arith.constant 0 : index
    %get3A_64 = arith.constant 4 : index
    %get3A_65 = vector.load %arg2[%get3A_63, %get3A_64] : memref<1024x20xf32, #tpu.memory_space<vmem>>, vector<1024x1xf32>
    %concatenate3A_66 = tpu.concatenate %get3A_59, %get3A_62, %get3A_65 in 1 : vector<1024x1xf32>, vector<1024x1xf32>, vector<1024x1xf32> -> vector<1024x3xf32>
    %dot_general3A_67 = arith.constant dense<0.000000e+00> : vector<1024x100xf32>
    %dot_general3A_68 = tpu.matmul %concatenate3A_66, %get3A_1, %dot_general3A_67 {dimension_numbers = #tpu.dot_dimension_numbers<[1], [0], [0], [1], [0, 0, 1, 1], [], []>, transpose_lhs_hint = false} : vector<1024x3xf32>, vector<3x100xf32>, vector<1024x100xf32> -> vector<1024x100xf32>
    %convert_element_type3A_69 = arith.truncf %dot_general3A_68 : vector<1024x100xf32> to vector<1024x100xbf16>
    %convert_element_type3A_70 = arith.extf %convert_element_type3A_69 : vector<1024x100xbf16> to vector<1024x100xf32>
    %add3A_71 = arith.addf %add3A_56, %convert_element_type3A_70 : vector<1024x100xf32>
    %get3A_72 = arith.constant 0 : index
    %get3A_73 = arith.constant 5 : index
    %get3A_74 = vector.load %arg0[%get3A_72, %get3A_73] : memref<1024x20xf32, #tpu.memory_space<vmem>>, vector<1024x1xf32>
    %get3A_75 = arith.constant 0 : index
    %get3A_76 = arith.constant 5 : index
    %get3A_77 = vector.load %arg1[%get3A_75, %get3A_76] : memref<1024x20xf32, #tpu.memory_space<vmem>>, vector<1024x1xf32>
    %get3A_78 = arith.constant 0 : index
    %get3A_79 = arith.constant 5 : index
    %get3A_80 = vector.load %arg2[%get3A_78, %get3A_79] : memref<1024x20xf32, #tpu.memory_space<vmem>>, vector<1024x1xf32>
    %concatenate3A_81 = tpu.concatenate %get3A_74, %get3A_77, %get3A_80 in 1 : vector<1024x1xf32>, vector<1024x1xf32>, vector<1024x1xf32> -> vector<1024x3xf32>
    %dot_general3A_82 = arith.constant dense<0.000000e+00> : vector<1024x100xf32>
    %dot_general3A_83 = tpu.matmul %concatenate3A_81, %get3A_1, %dot_general3A_82 {dimension_numbers = #tpu.dot_dimension_numbers<[1], [0], [0], [1], [0, 0, 1, 1], [], []>, transpose_lhs_hint = false} : vector<1024x3xf32>, vector<3x100xf32>, vector<1024x100xf32> -> vector<1024x100xf32>
    %convert_element_type3A_84 = arith.truncf %dot_general3A_83 : vector<1024x100xf32> to vector<1024x100xbf16>
    %convert_element_type3A_85 = arith.extf %convert_element_type3A_84 : vector<1024x100xbf16> to vector<1024x100xf32>
    %add3A_86 = arith.addf %add3A_71, %convert_element_type3A_85 : vector<1024x100xf32>
    %get3A_87 = arith.constant 0 : index
    %get3A_88 = arith.constant 6 : index
    %get3A_89 = vector.load %arg0[%get3A_87, %get3A_88] : memref<1024x20xf32, #tpu.memory_space<vmem>>, vector<1024x1xf32>
    %get3A_90 = arith.constant 0 : index
    %get3A_91 = arith.constant 6 : index
    %get3A_92 = vector.load %arg1[%get3A_90, %get3A_91] : memref<1024x20xf32, #tpu.memory_space<vmem>>, vector<1024x1xf32>
    %get3A_93 = arith.constant 0 : index
    %get3A_94 = arith.constant 6 : index
    %get3A_95 = vector.load %arg2[%get3A_93, %get3A_94] : memref<1024x20xf32, #tpu.memory_space<vmem>>, vector<1024x1xf32>
    %concatenate3A_96 = tpu.concatenate %get3A_89, %get3A_92, %get3A_95 in 1 : vector<1024x1xf32>, vector<1024x1xf32>, vector<1024x1xf32> -> vector<1024x3xf32>
    %dot_general3A_97 = arith.constant dense<0.000000e+00> : vector<1024x100xf32>
    %dot_general3A_98 = tpu.matmul %concatenate3A_96, %get3A_1, %dot_general3A_97 {dimension_numbers = #tpu.dot_dimension_numbers<[1], [0], [0], [1], [0, 0, 1, 1], [], []>, transpose_lhs_hint = false} : vector<1024x3xf32>, vector<3x100xf32>, vector<1024x100xf32> -> vector<1024x100xf32>
    %convert_element_type3A_99 = arith.truncf %dot_general3A_98 : vector<1024x100xf32> to vector<1024x100xbf16>
    %convert_element_type3A_100 = arith.extf %convert_element_type3A_99 : vector<1024x100xbf16> to vector<1024x100xf32>
    %add3A_101 = arith.addf %add3A_86, %convert_element_type3A_100 : vector<1024x100xf32>
    %get3A_102 = arith.constant 0 : index
    %get3A_103 = arith.constant 7 : index
    %get3A_104 = vector.load %arg0[%get3A_102, %get3A_103] : memref<1024x20xf32, #tpu.memory_space<vmem>>, vector<1024x1xf32>
    %get3A_105 = arith.constant 0 : index
    %get3A_106 = arith.constant 7 : index
    %get3A_107 = vector.load %arg1[%get3A_105, %get3A_106] : memref<1024x20xf32, #tpu.memory_space<vmem>>, vector<1024x1xf32>
    %get3A_108 = arith.constant 0 : index
    %get3A_109 = arith.constant 7 : index
    %get3A_110 = vector.load %arg2[%get3A_108, %get3A_109] : memref<1024x20xf32, #tpu.memory_space<vmem>>, vector<1024x1xf32>
    %concatenate3A_111 = tpu.concatenate %get3A_104, %get3A_107, %get3A_110 in 1 : vector<1024x1xf32>, vector<1024x1xf32>, vector<1024x1xf32> -> vector<1024x3xf32>
    %dot_general3A_112 = arith.constant dense<0.000000e+00> : vector<1024x100xf32>
    %dot_general3A_113 = tpu.matmul %concatenate3A_111, %get3A_1, %dot_general3A_112 {dimension_numbers = #tpu.dot_dimension_numbers<[1], [0], [0], [1], [0, 0, 1, 1], [], []>, transpose_lhs_hint = false} : vector<1024x3xf32>, vector<3x100xf32>, vector<1024x100xf32> -> vector<1024x100xf32>
    %convert_element_type3A_114 = arith.truncf %dot_general3A_113 : vector<1024x100xf32> to vector<1024x100xbf16>
    %convert_element_type3A_115 = arith.extf %convert_element_type3A_114 : vector<1024x100xbf16> to vector<1024x100xf32>
    %add3A_116 = arith.addf %add3A_101, %convert_element_type3A_115 : vector<1024x100xf32>
    %get3A_117 = arith.constant 0 : index
    %get3A_118 = arith.constant 8 : index
    %get3A_119 = vector.load %arg0[%get3A_117, %get3A_118] : memref<1024x20xf32, #tpu.memory_space<vmem>>, vector<1024x1xf32>
    %get3A_120 = arith.constant 0 : index
    %get3A_121 = arith.constant 8 : index
    %get3A_122 = vector.load %arg1[%get3A_120, %get3A_121] : memref<1024x20xf32, #tpu.memory_space<vmem>>, vector<1024x1xf32>
    %get3A_123 = arith.constant 0 : index
    %get3A_124 = arith.constant 8 : index
    %get3A_125 = vector.load %arg2[%get3A_123, %get3A_124] : memref<1024x20xf32, #tpu.memory_space<vmem>>, vector<1024x1xf32>
    %concatenate3A_126 = tpu.concatenate %get3A_119, %get3A_122, %get3A_125 in 1 : vector<1024x1xf32>, vector<1024x1xf32>, vector<1024x1xf32> -> vector<1024x3xf32>
    %dot_general3A_127 = arith.constant dense<0.000000e+00> : vector<1024x100xf32>
    %dot_general3A_128 = tpu.matmul %concatenate3A_126, %get3A_1, %dot_general3A_127 {dimension_numbers = #tpu.dot_dimension_numbers<[1], [0], [0], [1], [0, 0, 1, 1], [], []>, transpose_lhs_hint = false} : vector<1024x3xf32>, vector<3x100xf32>, vector<1024x100xf32> -> vector<1024x100xf32>
    %convert_element_type3A_129 = arith.truncf %dot_general3A_128 : vector<1024x100xf32> to vector<1024x100xbf16>
    %convert_element_type3A_130 = arith.extf %convert_element_type3A_129 : vector<1024x100xbf16> to vector<1024x100xf32>
    %add3A_131 = arith.addf %add3A_116, %convert_element_type3A_130 : vector<1024x100xf32>
    %get3A_132 = arith.constant 0 : index
    %get3A_133 = arith.constant 9 : index
    %get3A_134 = vector.load %arg0[%get3A_132, %get3A_133] : memref<1024x20xf32, #tpu.memory_space<vmem>>, vector<1024x1xf32>
    %get3A_135 = arith.constant 0 : index
    %get3A_136 = arith.constant 9 : index
    %get3A_137 = vector.load %arg1[%get3A_135, %get3A_136] : memref<1024x20xf32, #tpu.memory_space<vmem>>, vector<1024x1xf32>
    %get3A_138 = arith.constant 0 : index
    %get3A_139 = arith.constant 9 : index
    %get3A_140 = vector.load %arg2[%get3A_138, %get3A_139] : memref<1024x20xf32, #tpu.memory_space<vmem>>, vector<1024x1xf32>
    %concatenate3A_141 = tpu.concatenate %get3A_134, %get3A_137, %get3A_140 in 1 : vector<1024x1xf32>, vector<1024x1xf32>, vector<1024x1xf32> -> vector<1024x3xf32>
    %dot_general3A_142 = arith.constant dense<0.000000e+00> : vector<1024x100xf32>
    %dot_general3A_143 = tpu.matmul %concatenate3A_141, %get3A_1, %dot_general3A_142 {dimension_numbers = #tpu.dot_dimension_numbers<[1], [0], [0], [1], [0, 0, 1, 1], [], []>, transpose_lhs_hint = false} : vector<1024x3xf32>, vector<3x100xf32>, vector<1024x100xf32> -> vector<1024x100xf32>
    %convert_element_type3A_144 = arith.truncf %dot_general3A_143 : vector<1024x100xf32> to vector<1024x100xbf16>
    %convert_element_type3A_145 = arith.extf %convert_element_type3A_144 : vector<1024x100xbf16> to vector<1024x100xf32>
    %add3A_146 = arith.addf %add3A_131, %convert_element_type3A_145 : vector<1024x100xf32>
    %get3A_147 = arith.constant 0 : index
    %get3A_148 = arith.constant 10 : index
    %get3A_149 = vector.load %arg0[%get3A_147, %get3A_148] : memref<1024x20xf32, #tpu.memory_space<vmem>>, vector<1024x1xf32>
    %get3A_150 = arith.constant 0 : index
    %get3A_151 = arith.constant 10 : index
    %get3A_152 = vector.load %arg1[%get3A_150, %get3A_151] : memref<1024x20xf32, #tpu.memory_space<vmem>>, vector<1024x1xf32>
    %get3A_153 = arith.constant 0 : index
    %get3A_154 = arith.constant 10 : index
    %get3A_155 = vector.load %arg2[%get3A_153, %get3A_154] : memref<1024x20xf32, #tpu.memory_space<vmem>>, vector<1024x1xf32>
    %concatenate3A_156 = tpu.concatenate %get3A_149, %get3A_152, %get3A_155 in 1 : vector<1024x1xf32>, vector<1024x1xf32>, vector<1024x1xf32> -> vector<1024x3xf32>
    %dot_general3A_157 = arith.constant dense<0.000000e+00> : vector<1024x100xf32>
    %dot_general3A_158 = tpu.matmul %concatenate3A_156, %get3A_1, %dot_general3A_157 {dimension_numbers = #tpu.dot_dimension_numbers<[1], [0], [0], [1], [0, 0, 1, 1], [], []>, transpose_lhs_hint = false} : vector<1024x3xf32>, vector<3x100xf32>, vector<1024x100xf32> -> vector<1024x100xf32>
    %convert_element_type3A_159 = arith.truncf %dot_general3A_158 : vector<1024x100xf32> to vector<1024x100xbf16>
    %convert_element_type3A_160 = arith.extf %convert_element_type3A_159 : vector<1024x100xbf16> to vector<1024x100xf32>
    %add3A_161 = arith.addf %add3A_146, %convert_element_type3A_160 : vector<1024x100xf32>
    %get3A_162 = arith.constant 0 : index
    %get3A_163 = arith.constant 11 : index
    %get3A_164 = vector.load %arg0[%get3A_162, %get3A_163] : memref<1024x20xf32, #tpu.memory_space<vmem>>, vector<1024x1xf32>
    %get3A_165 = arith.constant 0 : index
    %get3A_166 = arith.constant 11 : index
    %get3A_167 = vector.load %arg1[%get3A_165, %get3A_166] : memref<1024x20xf32, #tpu.memory_space<vmem>>, vector<1024x1xf32>
    %get3A_168 = arith.constant 0 : index
    %get3A_169 = arith.constant 11 : index
    %get3A_170 = vector.load %arg2[%get3A_168, %get3A_169] : memref<1024x20xf32, #tpu.memory_space<vmem>>, vector<1024x1xf32>
    %concatenate3A_171 = tpu.concatenate %get3A_164, %get3A_167, %get3A_170 in 1 : vector<1024x1xf32>, vector<1024x1xf32>, vector<1024x1xf32> -> vector<1024x3xf32>
    %dot_general3A_172 = arith.constant dense<0.000000e+00> : vector<1024x100xf32>
    %dot_general3A_173 = tpu.matmul %concatenate3A_171, %get3A_1, %dot_general3A_172 {dimension_numbers = #tpu.dot_dimension_numbers<[1], [0], [0], [1], [0, 0, 1, 1], [], []>, transpose_lhs_hint = false} : vector<1024x3xf32>, vector<3x100xf32>, vector<1024x100xf32> -> vector<1024x100xf32>
    %convert_element_type3A_174 = arith.truncf %dot_general3A_173 : vector<1024x100xf32> to vector<1024x100xbf16>
    %convert_element_type3A_175 = arith.extf %convert_element_type3A_174 : vector<1024x100xbf16> to vector<1024x100xf32>
    %add3A_176 = arith.addf %add3A_161, %convert_element_type3A_175 : vector<1024x100xf32>
    %get3A_177 = arith.constant 0 : index
    %get3A_178 = arith.constant 12 : index
    %get3A_179 = vector.load %arg0[%get3A_177, %get3A_178] : memref<1024x20xf32, #tpu.memory_space<vmem>>, vector<1024x1xf32>
    %get3A_180 = arith.constant 0 : index
    %get3A_181 = arith.constant 12 : index
    %get3A_182 = vector.load %arg1[%get3A_180, %get3A_181] : memref<1024x20xf32, #tpu.memory_space<vmem>>, vector<1024x1xf32>
    %get3A_183 = arith.constant 0 : index
    %get3A_184 = arith.constant 12 : index
    %get3A_185 = vector.load %arg2[%get3A_183, %get3A_184] : memref<1024x20xf32, #tpu.memory_space<vmem>>, vector<1024x1xf32>
    %concatenate3A_186 = tpu.concatenate %get3A_179, %get3A_182, %get3A_185 in 1 : vector<1024x1xf32>, vector<1024x1xf32>, vector<1024x1xf32> -> vector<1024x3xf32>
    %dot_general3A_187 = arith.constant dense<0.000000e+00> : vector<1024x100xf32>
    %dot_general3A_188 = tpu.matmul %concatenate3A_186, %get3A_1, %dot_general3A_187 {dimension_numbers = #tpu.dot_dimension_numbers<[1], [0], [0], [1], [0, 0, 1, 1], [], []>, transpose_lhs_hint = false} : vector<1024x3xf32>, vector<3x100xf32>, vector<1024x100xf32> -> vector<1024x100xf32>
    %convert_element_type3A_189 = arith.truncf %dot_general3A_188 : vector<1024x100xf32> to vector<1024x100xbf16>
    %convert_element_type3A_190 = arith.extf %convert_element_type3A_189 : vector<1024x100xbf16> to vector<1024x100xf32>
    %add3A_191 = arith.addf %add3A_176, %convert_element_type3A_190 : vector<1024x100xf32>
    %get3A_192 = arith.constant 0 : index
    %get3A_193 = arith.constant 13 : index
    %get3A_194 = vector.load %arg0[%get3A_192, %get3A_193] : memref<1024x20xf32, #tpu.memory_space<vmem>>, vector<1024x1xf32>
    %get3A_195 = arith.constant 0 : index
    %get3A_196 = arith.constant 13 : index
    %get3A_197 = vector.load %arg1[%get3A_195, %get3A_196] : memref<1024x20xf32, #tpu.memory_space<vmem>>, vector<1024x1xf32>
    %get3A_198 = arith.constant 0 : index
    %get3A_199 = arith.constant 13 : index
    %get3A_200 = vector.load %arg2[%get3A_198, %get3A_199] : memref<1024x20xf32, #tpu.memory_space<vmem>>, vector<1024x1xf32>
    %concatenate3A_201 = tpu.concatenate %get3A_194, %get3A_197, %get3A_200 in 1 : vector<1024x1xf32>, vector<1024x1xf32>, vector<1024x1xf32> -> vector<1024x3xf32>
    %dot_general3A_202 = arith.constant dense<0.000000e+00> : vector<1024x100xf32>
    %dot_general3A_203 = tpu.matmul %concatenate3A_201, %get3A_1, %dot_general3A_202 {dimension_numbers = #tpu.dot_dimension_numbers<[1], [0], [0], [1], [0, 0, 1, 1], [], []>, transpose_lhs_hint = false} : vector<1024x3xf32>, vector<3x100xf32>, vector<1024x100xf32> -> vector<1024x100xf32>
    %convert_element_type3A_204 = arith.truncf %dot_general3A_203 : vector<1024x100xf32> to vector<1024x100xbf16>
    %convert_element_type3A_205 = arith.extf %convert_element_type3A_204 : vector<1024x100xbf16> to vector<1024x100xf32>
    %add3A_206 = arith.addf %add3A_191, %convert_element_type3A_205 : vector<1024x100xf32>
    %get3A_207 = arith.constant 0 : index
    %get3A_208 = arith.constant 14 : index
    %get3A_209 = vector.load %arg0[%get3A_207, %get3A_208] : memref<1024x20xf32, #tpu.memory_space<vmem>>, vector<1024x1xf32>
    %get3A_210 = arith.constant 0 : index
    %get3A_211 = arith.constant 14 : index
    %get3A_212 = vector.load %arg1[%get3A_210, %get3A_211] : memref<1024x20xf32, #tpu.memory_space<vmem>>, vector<1024x1xf32>
    %get3A_213 = arith.constant 0 : index
    %get3A_214 = arith.constant 14 : index
    %get3A_215 = vector.load %arg2[%get3A_213, %get3A_214] : memref<1024x20xf32, #tpu.memory_space<vmem>>, vector<1024x1xf32>
    %concatenate3A_216 = tpu.concatenate %get3A_209, %get3A_212, %get3A_215 in 1 : vector<1024x1xf32>, vector<1024x1xf32>, vector<1024x1xf32> -> vector<1024x3xf32>
    %dot_general3A_217 = arith.constant dense<0.000000e+00> : vector<1024x100xf32>
    %dot_general3A_218 = tpu.matmul %concatenate3A_216, %get3A_1, %dot_general3A_217 {dimension_numbers = #tpu.dot_dimension_numbers<[1], [0], [0], [1], [0, 0, 1, 1], [], []>, transpose_lhs_hint = false} : vector<1024x3xf32>, vector<3x100xf32>, vector<1024x100xf32> -> vector<1024x100xf32>
    %convert_element_type3A_219 = arith.truncf %dot_general3A_218 : vector<1024x100xf32> to vector<1024x100xbf16>
    %convert_element_type3A_220 = arith.extf %convert_element_type3A_219 : vector<1024x100xbf16> to vector<1024x100xf32>
    %add3A_221 = arith.addf %add3A_206, %convert_element_type3A_220 : vector<1024x100xf32>
    %get3A_222 = arith.constant 0 : index
    %get3A_223 = arith.constant 15 : index
    %get3A_224 = vector.load %arg0[%get3A_222, %get3A_223] : memref<1024x20xf32, #tpu.memory_space<vmem>>, vector<1024x1xf32>
    %get3A_225 = arith.constant 0 : index
    %get3A_226 = arith.constant 15 : index
    %get3A_227 = vector.load %arg1[%get3A_225, %get3A_226] : memref<1024x20xf32, #tpu.memory_space<vmem>>, vector<1024x1xf32>
    %get3A_228 = arith.constant 0 : index
    %get3A_229 = arith.constant 15 : index
    %get3A_230 = vector.load %arg2[%get3A_228, %get3A_229] : memref<1024x20xf32, #tpu.memory_space<vmem>>, vector<1024x1xf32>
    %concatenate3A_231 = tpu.concatenate %get3A_224, %get3A_227, %get3A_230 in 1 : vector<1024x1xf32>, vector<1024x1xf32>, vector<1024x1xf32> -> vector<1024x3xf32>
    %dot_general3A_232 = arith.constant dense<0.000000e+00> : vector<1024x100xf32>
    %dot_general3A_233 = tpu.matmul %concatenate3A_231, %get3A_1, %dot_general3A_232 {dimension_numbers = #tpu.dot_dimension_numbers<[1], [0], [0], [1], [0, 0, 1, 1], [], []>, transpose_lhs_hint = false} : vector<1024x3xf32>, vector<3x100xf32>, vector<1024x100xf32> -> vector<1024x100xf32>
    %convert_element_type3A_234 = arith.truncf %dot_general3A_233 : vector<1024x100xf32> to vector<1024x100xbf16>
    %convert_element_type3A_235 = arith.extf %convert_element_type3A_234 : vector<1024x100xbf16> to vector<1024x100xf32>
    %add3A_236 = arith.addf %add3A_221, %convert_element_type3A_235 : vector<1024x100xf32>
    %get3A_237 = arith.constant 0 : index
    %get3A_238 = arith.constant 16 : index
    %get3A_239 = vector.load %arg0[%get3A_237, %get3A_238] : memref<1024x20xf32, #tpu.memory_space<vmem>>, vector<1024x1xf32>
    %get3A_240 = arith.constant 0 : index
    %get3A_241 = arith.constant 16 : index
    %get3A_242 = vector.load %arg1[%get3A_240, %get3A_241] : memref<1024x20xf32, #tpu.memory_space<vmem>>, vector<1024x1xf32>
    %get3A_243 = arith.constant 0 : index
    %get3A_244 = arith.constant 16 : index
    %get3A_245 = vector.load %arg2[%get3A_243, %get3A_244] : memref<1024x20xf32, #tpu.memory_space<vmem>>, vector<1024x1xf32>
    %concatenate3A_246 = tpu.concatenate %get3A_239, %get3A_242, %get3A_245 in 1 : vector<1024x1xf32>, vector<1024x1xf32>, vector<1024x1xf32> -> vector<1024x3xf32>
    %dot_general3A_247 = arith.constant dense<0.000000e+00> : vector<1024x100xf32>
    %dot_general3A_248 = tpu.matmul %concatenate3A_246, %get3A_1, %dot_general3A_247 {dimension_numbers = #tpu.dot_dimension_numbers<[1], [0], [0], [1], [0, 0, 1, 1], [], []>, transpose_lhs_hint = false} : vector<1024x3xf32>, vector<3x100xf32>, vector<1024x100xf32> -> vector<1024x100xf32>
    %convert_element_type3A_249 = arith.truncf %dot_general3A_248 : vector<1024x100xf32> to vector<1024x100xbf16>
    %convert_element_type3A_250 = arith.extf %convert_element_type3A_249 : vector<1024x100xbf16> to vector<1024x100xf32>
    %add3A_251 = arith.addf %add3A_236, %convert_element_type3A_250 : vector<1024x100xf32>
    %get3A_252 = arith.constant 0 : index
    %get3A_253 = arith.constant 17 : index
    %get3A_254 = vector.load %arg0[%get3A_252, %get3A_253] : memref<1024x20xf32, #tpu.memory_space<vmem>>, vector<1024x1xf32>
    %get3A_255 = arith.constant 0 : index
    %get3A_256 = arith.constant 17 : index
    %get3A_257 = vector.load %arg1[%get3A_255, %get3A_256] : memref<1024x20xf32, #tpu.memory_space<vmem>>, vector<1024x1xf32>
    %get3A_258 = arith.constant 0 : index
    %get3A_259 = arith.constant 17 : index
    %get3A_260 = vector.load %arg2[%get3A_258, %get3A_259] : memref<1024x20xf32, #tpu.memory_space<vmem>>, vector<1024x1xf32>
    %concatenate3A_261 = tpu.concatenate %get3A_254, %get3A_257, %get3A_260 in 1 : vector<1024x1xf32>, vector<1024x1xf32>, vector<1024x1xf32> -> vector<1024x3xf32>
    %dot_general3A_262 = arith.constant dense<0.000000e+00> : vector<1024x100xf32>
    %dot_general3A_263 = tpu.matmul %concatenate3A_261, %get3A_1, %dot_general3A_262 {dimension_numbers = #tpu.dot_dimension_numbers<[1], [0], [0], [1], [0, 0, 1, 1], [], []>, transpose_lhs_hint = false} : vector<1024x3xf32>, vector<3x100xf32>, vector<1024x100xf32> -> vector<1024x100xf32>
    %convert_element_type3A_264 = arith.truncf %dot_general3A_263 : vector<1024x100xf32> to vector<1024x100xbf16>
    %convert_element_type3A_265 = arith.extf %convert_element_type3A_264 : vector<1024x100xbf16> to vector<1024x100xf32>
    %add3A_266 = arith.addf %add3A_251, %convert_element_type3A_265 : vector<1024x100xf32>
    %get3A_267 = arith.constant 0 : index
    %get3A_268 = arith.constant 18 : index
    %get3A_269 = vector.load %arg0[%get3A_267, %get3A_268] : memref<1024x20xf32, #tpu.memory_space<vmem>>, vector<1024x1xf32>
    %get3A_270 = arith.constant 0 : index
    %get3A_271 = arith.constant 18 : index
    %get3A_272 = vector.load %arg1[%get3A_270, %get3A_271] : memref<1024x20xf32, #tpu.memory_space<vmem>>, vector<1024x1xf32>
    %get3A_273 = arith.constant 0 : index
    %get3A_274 = arith.constant 18 : index
    %get3A_275 = vector.load %arg2[%get3A_273, %get3A_274] : memref<1024x20xf32, #tpu.memory_space<vmem>>, vector<1024x1xf32>
    %concatenate3A_276 = tpu.concatenate %get3A_269, %get3A_272, %get3A_275 in 1 : vector<1024x1xf32>, vector<1024x1xf32>, vector<1024x1xf32> -> vector<1024x3xf32>
    %dot_general3A_277 = arith.constant dense<0.000000e+00> : vector<1024x100xf32>
    %dot_general3A_278 = tpu.matmul %concatenate3A_276, %get3A_1, %dot_general3A_277 {dimension_numbers = #tpu.dot_dimension_numbers<[1], [0], [0], [1], [0, 0, 1, 1], [], []>, transpose_lhs_hint = false} : vector<1024x3xf32>, vector<3x100xf32>, vector<1024x100xf32> -> vector<1024x100xf32>
    %convert_element_type3A_279 = arith.truncf %dot_general3A_278 : vector<1024x100xf32> to vector<1024x100xbf16>
    %convert_element_type3A_280 = arith.extf %convert_element_type3A_279 : vector<1024x100xbf16> to vector<1024x100xf32>
    %add3A_281 = arith.addf %add3A_266, %convert_element_type3A_280 : vector<1024x100xf32>
    %get3A_282 = arith.constant 0 : index
    %get3A_283 = arith.constant 19 : index
    %get3A_284 = vector.load %arg0[%get3A_282, %get3A_283] : memref<1024x20xf32, #tpu.memory_space<vmem>>, vector<1024x1xf32>
    %get3A_285 = arith.constant 0 : index
    %get3A_286 = arith.constant 19 : index
    %get3A_287 = vector.load %arg1[%get3A_285, %get3A_286] : memref<1024x20xf32, #tpu.memory_space<vmem>>, vector<1024x1xf32>
    %get3A_288 = arith.constant 0 : index
    %get3A_289 = arith.constant 19 : index
    %get3A_290 = vector.load %arg2[%get3A_288, %get3A_289] : memref<1024x20xf32, #tpu.memory_space<vmem>>, vector<1024x1xf32>
    %concatenate3A_291 = tpu.concatenate %get3A_284, %get3A_287, %get3A_290 in 1 : vector<1024x1xf32>, vector<1024x1xf32>, vector<1024x1xf32> -> vector<1024x3xf32>
    %dot_general3A_292 = arith.constant dense<0.000000e+00> : vector<1024x100xf32>
    %dot_general3A_293 = tpu.matmul %concatenate3A_291, %get3A_1, %dot_general3A_292 {dimension_numbers = #tpu.dot_dimension_numbers<[1], [0], [0], [1], [0, 0, 1, 1], [], []>, transpose_lhs_hint = false} : vector<1024x3xf32>, vector<3x100xf32>, vector<1024x100xf32> -> vector<1024x100xf32>
    %convert_element_type3A_294 = arith.truncf %dot_general3A_293 : vector<1024x100xf32> to vector<1024x100xbf16>
    %convert_element_type3A_295 = arith.extf %convert_element_type3A_294 : vector<1024x100xbf16> to vector<1024x100xf32>
    %add3A_296 = arith.addf %add3A_281, %convert_element_type3A_295 : vector<1024x100xf32>
    %get3A_297 = arith.constant 0 : index
    %get3A_298 = arith.constant 0 : index
    %get3A_299 = vector.load %arg4[%get3A_297, %get3A_298] : memref<1x100xf32, #tpu.memory_space<vmem>>, vector<1x100xf32>
    %add3A_300 = vector.broadcast %get3A_299 : vector<1x100xf32> to vector<1024x100xf32>
    %add3A_301 = arith.addf %add3A_296, %add3A_300 : vector<1024x100xf32>
    %max3A = arith.constant 0.000000e+00 : f32
    %max3A_302 = vector.broadcast %max3A : f32 to vector<1024x100xf32>
    %max3A_303 = arith.maximumf %add3A_301, %max3A_302 : vector<1024x100xf32>
    %get3A_304 = arith.constant 0 : index
    %get3A_305 = arith.constant 0 : index
    %get3A_306 = vector.load %arg5[%get3A_304, %get3A_305] : memref<100x10xf32, #tpu.memory_space<vmem>>, vector<100x10xf32>
    %dot_general3A_307 = arith.constant dense<0.000000e+00> : vector<1024x10xf32>
    %dot_general3A_308 = tpu.matmul %max3A_303, %get3A_306, %dot_general3A_307 {dimension_numbers = #tpu.dot_dimension_numbers<[1], [0], [0], [1], [0, 0, 1, 1], [], []>, transpose_lhs_hint = false} : vector<1024x100xf32>, vector<100x10xf32>, vector<1024x10xf32> -> vector<1024x10xf32>
    %convert_element_type3A_309 = arith.truncf %dot_general3A_308 : vector<1024x10xf32> to vector<1024x10xbf16>
    %convert_element_type3A_310 = arith.extf %convert_element_type3A_309 : vector<1024x10xbf16> to vector<1024x10xf32>
    %mul3A = arith.constant 2.000000e+01 : f32
    %mul3A_311 = vector.broadcast %mul3A : f32 to vector<1024x10xf32>
    %mul3A_312 = arith.mulf %mul3A_311, %convert_element_type3A_310 : vector<1024x10xf32>
    %get3A_313 = arith.constant 0 : index
    %get3A_314 = arith.constant 0 : index
    %get3A_315 = vector.load %arg6[%get3A_313, %get3A_314] : memref<1x10xf32, #tpu.memory_space<vmem>>, vector<1x10xf32>
    %add3A_316 = vector.broadcast %get3A_315 : vector<1x10xf32> to vector<1024x10xf32>
    %add3A_317 = arith.addf %mul3A_312, %add3A_316 : vector<1024x10xf32>
    %reduce_max3A = arith.constant dense<0xFF800000> : vector<10xf32>
    %reduce_max3A_318 = vector.multi_reduction <maximumf>, %add3A_317, %reduce_max3A [0] : vector<1024x10xf32> to vector<10xf32>
    %broadcast_in_dim3A = vector.shape_cast %reduce_max3A_318 : vector<10xf32> to vector<1x10xf32>
    %sub3A = vector.broadcast %broadcast_in_dim3A : vector<1x10xf32> to vector<1024x10xf32>
    %sub3A_319 = arith.subf %add3A_317, %sub3A : vector<1024x10xf32>
    %exp3A = math.exp %sub3A_319 : vector<1024x10xf32>
    %reduce_sum3A = arith.constant dense<0.000000e+00> : vector<10xf32>
    %reduce_sum3A_320 = vector.multi_reduction <add>, %exp3A, %reduce_sum3A [0] : vector<1024x10xf32> to vector<10xf32>
    %broadcast_in_dim3A_321 = vector.shape_cast %reduce_sum3A_320 : vector<10xf32> to vector<1x10xf32>
    %log3A = math.log %broadcast_in_dim3A_321 : vector<1x10xf32>
    %sub3A_322 = vector.broadcast %log3A : vector<1x10xf32> to vector<1024x10xf32>
    %sub3A_323 = arith.subf %sub3A_319, %sub3A_322 : vector<1024x10xf32>
    %concatenate3A_324 = tpu.concatenate %sub3A_323, %sub3A_323, %sub3A_323, %sub3A_323, %sub3A_323, %sub3A_323, %sub3A_323, %sub3A_323, %sub3A_323, %sub3A_323, %sub3A_323, %sub3A_323, %sub3A_323, %sub3A_323, %sub3A_323, %sub3A_323, %sub3A_323, %sub3A_323, %sub3A_323, %sub3A_323 in 1 : vector<1024x10xf32>, vector<1024x10xf32>, vector<1024x10xf32>, vector<1024x10xf32>, vector<1024x10xf32>, vector<1024x10xf32>, vector<1024x10xf32>, vector<1024x10xf32>, vector<1024x10xf32>, vector<1024x10xf32>, vector<1024x10xf32>, vector<1024x10xf32>, vector<1024x10xf32>, vector<1024x10xf32>, vector<1024x10xf32>, vector<1024x10xf32>, vector<1024x10xf32>, vector<1024x10xf32>, vector<1024x10xf32>, vector<1024x10xf32> -> vector<1024x200xf32>
    %get3A_325 = arith.constant 0 : index
    %get3A_326 = arith.constant 0 : index
    %get3A_327 = vector.load %arg7[%get3A_325, %get3A_326] : memref<200x10xf32, #tpu.memory_space<vmem>>, vector<200x10xf32>
    %dot_general3A_328 = arith.constant dense<0.000000e+00> : vector<1024x10xf32>
    %dot_general3A_329 = tpu.matmul %concatenate3A_324, %get3A_327, %dot_general3A_328 {dimension_numbers = #tpu.dot_dimension_numbers<[1], [0], [0], [1], [0, 0, 1, 1], [], []>, transpose_lhs_hint = false} : vector<1024x200xf32>, vector<200x10xf32>, vector<1024x10xf32> -> vector<1024x10xf32>
    %get3A_330 = arith.constant 0 : index
    %get3A_331 = arith.constant 0 : index
    %get3A_332 = vector.load %arg8[%get3A_330, %get3A_331] : memref<1x10xf32, #tpu.memory_space<vmem>>, vector<1x10xf32>
    %add3A_333 = vector.broadcast %get3A_332 : vector<1x10xf32> to vector<1024x10xf32>
    %add3A_334 = arith.addf %dot_general3A_329, %add3A_333 : vector<1024x10xf32>
    %reduce_max3A_335 = arith.constant dense<0xFF800000> : vector<1024xf32>
    %reduce_max3A_336 = vector.multi_reduction <maximumf>, %add3A_334, %reduce_max3A_335 [1] : vector<1024x10xf32> to vector<1024xf32>
    %broadcast_in_dim3A_337 = vector.shape_cast %reduce_max3A_336 : vector<1024xf32> to vector<1024x1xf32>
    %sub3A_338 = vector.broadcast %broadcast_in_dim3A_337 : vector<1024x1xf32> to vector<1024x10xf32>
    %sub3A_339 = arith.subf %add3A_334, %sub3A_338 : vector<1024x10xf32>
    %exp3A_340 = math.exp %sub3A_339 : vector<1024x10xf32>
    %reduce_sum3A_341 = arith.constant dense<0.000000e+00> : vector<1024xf32>
    %reduce_sum3A_342 = vector.multi_reduction <add>, %exp3A_340, %reduce_sum3A_341 [1] : vector<1024x10xf32> to vector<1024xf32>
    %broadcast_in_dim3A_343 = vector.shape_cast %reduce_sum3A_342 : vector<1024xf32> to vector<1024x1xf32>
    %div3A = vector.broadcast %broadcast_in_dim3A_343 : vector<1024x1xf32> to vector<1024x10xf32>
    %div3A_344 = arith.divf %exp3A_340, %div3A : vector<1024x10xf32>
    %swap3A = arith.constant 0 : index
    %swap3A_345 = arith.constant 0 : index
    %swap3A_346 = vector.load %arg9[%swap3A, %swap3A_345] : memref<1024x10xf32, #tpu.memory_space<vmem>>, vector<1024x10xf32>
    tpu.vector_store %arg9[%swap3A, %swap3A_345], %div3A_344 {strides = array<i32>} : memref<1024x10xf32, #tpu.memory_space<vmem>>, vector<1024x10xf32>,
    return
  }
}

</mosaic_0001>

<sc_bundles>
// kernel: kernel.5.cloned.1.call-start
scs
__scs_entry_jumppad:
0x0: {  	(pc) =	sbr.rel $0x88, $3  }
0x1: {  	(tag) =	ssettag $0x0;
	lr =	simm.s32 $0x1  }
0x2: {  	[smem:$0x3F99] =	sst lr;
	_ =	strace $0xD0000000  }
0x3: {  	_ = 	snop  }
0x4: {  	_ = 	snop  }
0x5: {  	_ = 	snop  }
0x6: {  	_ = 	snop  }
0x7: {  	_ = 	snop  }
__scs_overlays_trampoline_lowered:
0x8: {  	[smem:$0x3FA8] =	sst s0  }
0x9: {  	[smem:$0x3FA9] =	sst s1  }
0xa: {  	[smem:$0x3FAA] =	sst s2  }
0xb: {  	[smem:$0x3FAB] =	sst s3  }
0xc: {  	[smem:$0x3FAC] =	sst s4  }
0xd: {  	[smem:$0x3FAD] =	sst s5  }
0xe: {  	[smem:$0x3FAE] =	sst s6  }
0xf: {  	[smem:$0x3FAF] =	sst s7  }
0x10: {  	[smem:$0x3FB0] =	sst s8  }
0x11: {  	[smem:$0x3FB1] =	sst s9;
	s0 =	simm.s32 @!p0 $0x0  }
0x12: {  	s1 =	sld [smem:$0x3F97];
	s0 =	simm.s32 @p0 $0x1  }
0x13: {  	[smem:$0x3FB2] =	sst s0;
	s0 =	simm.s32 @!p1 $0x0  }
0x14: {  	s2 =	sld [smem:$0x3F96];
	s0 =	simm.s32 @p1 $0x1  }
0x15: {  	[smem:$0x3FB3] =	sst s0;
	s0 =	simm.s32 @!p2 $0x0  }
0x16: {  	s3 =	sld [smem:$0x3FDB];
	s0 =	simm.s32 @p2 $0x1  }
0x17: {  	s4 =	simm.s32 $0x1BF5;
	[smem:$0x3FB5] =	sst s0  }
0x18: {  	s0 =	sld [smem:$0x3F98];
	_ =	swait.ge [sflag:s4], $0x0  }
0x19: {  	s7 =	sld [smem:$0x3F99]  }
0x1a: {  	s8 =	sadd.s32 $0xFFFFE003, lr  }
0x1b: {  	s9 =	sadd.s32 $0xFFFFFEF7, lr;
	s5 =	simm.s32 $0xFFFFFFFF;
	p2 =	slt.u32 s8, $0xFFFFF086  }
0x1c: {  	p1 =	slt.u32 s9, $0xF7A;
	s5 =	simm.s32 @!p2 $0x0  }
0x1d: {  	s5 =	simm.s32 @p1 $0x1;
	p0 =	seq.s32 s7, s2  }
0x1e: {  	s7 =	smul.u32 @!p0 $0xF7A, s2;
	p2 =	seq.s32 @!p0 s5, $0x0  }
0x1f: {  	s9 =	smul.u32 $0xF7A, s1;
	s8 =	simm.s32 @!p0 $0x1BF5;
	p2 =	por !p2, p0  }
0x20: {  	[sflag:s8] =	ssyncset.s32 @!p0 $0xFFFFF086;
	s6 =	sadd.s32 @!p0 s3, s7;
	s7 =	simm.s32 @!p0 $0x108  }
0x21: {  	s3 =	sadd.s32 s3, s9;
	s6 =	sadd.s32 @!p0 $0x88, s6;
	s7 =	simm.s32 @p2 $0x1082  }
0x22: {  	[simem:s7], [sflag:s8] =	dma.local @!p0 [hbm:s6], $0xF7A  }
0x23: {  	s9 =	sor.u32 $0xD0000000, s2;
	s6 =	simm.s32 $0x108;
	_ =	swait.ge @!p0 [sflag:s8], $0x0  }
0x24: {  	s3 =	sadd.s32 $0x88, s3;
	s6 =	simm.s32 @!p1 $0x1082;
	[sflag:s4] =	ssyncset.s32 $0xFFFFF086  }
0x25: {  	[simem:s6], [sflag:s4] =	dma.local [hbm:s3], $0xF7A  }
0x26: {  	[smem:$0x3F99] =	sst s1;
	(tag) =	ssettag s2;
	_ =	strace s9  }
0x27: {  	s1 =	sld [smem:$0x3FA9]  }
0x28: {  	s2 =	sld [smem:$0x3FAA]  }
0x29: {  	s4 =	sld [smem:$0x3FAC]  }
0x2a: {  	p0 =	seq.s32 s5, $0x0;
	s5 =	sld [smem:$0x3FAD]  }
0x2b: {  	s6 =	sld [smem:$0x3FAE]  }
0x2c: {  	s7 =	sld [smem:$0x3FAF]  }
0x2d: {  	s3 =	simm.s32 $0x108;
	s8 =	sld [smem:$0x3FB0]  }
0x2e: {  	s3 =	simm.s32 @!p0 $0x1082;
	s9 =	sld [smem:$0x3FB1]  }
0x2f: {  	lr =	sadd.s32 s0, s3;
	s0 =	sld [smem:$0x3FA8]  }
0x30: {  	s3 =	sld [smem:$0x3FAB]  }
0x31: {  	[smem:$0x3FB4] =	sst s10  }
0x32: {  	s10 =	sld [smem:$0x3FB2];
	_ =	sdelay $0x3  }
0x33: {  	p0 =	seq.s32 s10, $0x1;
	s10 =	sld [smem:$0x3FB4];
	_ =	sdelay $0x3  }
0x34: {  	[smem:$0x3FB4] =	sst s10  }
0x35: {  	s10 =	sld [smem:$0x3FB3];
	_ =	sdelay $0x3  }
0x36: {  	p1 =	seq.s32 s10, $0x1;
	s10 =	sld [smem:$0x3FB4];
	_ =	sdelay $0x3  }
0x37: {  	[smem:$0x3FB4] =	sst s10  }
0x38: {  	s10 =	sld [smem:$0x3FB5]  }
0x39: {  	_ = 	snop;
	(pc) =	sbr.ind lr, $3  }
0x3a: {  	_ = 	snop  }
0x3b: {  	_ = 	snop  }
0x3c: {  	p2 =	seq.s32 s10, $0x1;
	s10 =	sld [smem:$0x3FB4]  }
0x3d: {  	_ =	shalt  }
0x3e: {  	_ =	shalt  }
0x3f: {  	_ =	shalt  }
0x40: {  	_ =	shalt  }
0x41: {  	_ =	shalt  }
0x42: {  	_ =	shalt  }
0x43: {  	_ =	shalt  }
0x44: {  	_ =	shalt  }
0x45: {  	_ =	shalt  }
0x46: {  	_ =	shalt  }
0x47: {  	_ =	shalt  }
0x48: {  	_ =	shalt  }
0x49: {  	_ =	shalt  }
0x4a: {  	_ =	shalt  }
0x4b: {  	_ =	shalt  }
0x4c: {  	_ =	shalt  }
0x4d: {  	_ =	shalt  }
0x4e: {  	_ =	shalt  }
0x4f: {  	_ =	shalt  }
0x50: {  	_ =	shalt  }
0x51: {  	_ =	shalt  }
0x52: {  	_ =	shalt  }
0x53: {  	_ =	shalt  }
0x54: {  	_ =	shalt  }
0x55: {  	_ =	shalt  }
0x56: {  	_ =	shalt  }
0x57: {  	_ =	shalt  }
0x58: {  	_ =	shalt  }
0x59: {  	_ =	shalt  }
0x5a: {  	_ =	shalt  }
0x5b: {  	_ =	shalt  }
0x5c: {  	_ =	shalt  }
0x5d: {  	_ =	shalt  }
0x5e: {  	_ =	shalt  }
0x5f: {  	_ =	shalt  }
0x60: {  	_ =	shalt  }
0x61: {  	_ =	shalt  }
0x62: {  	_ =	shalt  }
0x63: {  	_ =	shalt  }
0x64: {  	_ =	shalt  }
0x65: {  	_ =	shalt  }
0x66: {  	_ =	shalt  }
0x67: {  	_ =	shalt  }
0x68: {  	_ =	shalt  }
0x69: {  	_ =	shalt  }
0x6a: {  	_ =	shalt  }
0x6b: {  	_ =	shalt  }
0x6c: {  	_ =	shalt  }
0x6d: {  	_ =	shalt  }
0x6e: {  	_ =	shalt  }
0x6f: {  	_ =	shalt  }
0x70: {  	_ =	shalt  }
0x71: {  	_ =	shalt  }
0x72: {  	_ =	shalt  }
0x73: {  	_ =	shalt  }
0x74: {  	_ =	shalt  }
0x75: {  	_ =	shalt  }
0x76: {  	_ =	shalt  }
0x77: {  	_ =	shalt  }
0x78: {  	_ =	shalt  }
0x79: {  	_ =	shalt  }
0x7a: {  	_ =	shalt  }
0x7b: {  	_ =	shalt  }
0x7c: {  	_ =	shalt  }
0x7d: {  	_ =	shalt  }
0x7e: {  	_ =	shalt  }
0x7f: {  	_ =	shalt  }
0x80: {  	_ =	shalt  }
0x81: {  	_ =	shalt  }
0x82: {  	_ =	shalt  }
0x83: {  	_ =	shalt  }
0x84: {  	_ =	shalt  }
0x85: {  	_ =	shalt  }
0x86: {  	_ =	shalt  }
0x87: {  	_ =	shalt  }
.Lfunc_end0:
.L_simem_size_0:
called_computation_lowered:
.L_overlay_start_0:
0x88: {  	s2 =	sld [smem:$0x3FD9]  }
0x89: {  	s3 =	sld [smem:$0x3FFE];
	_ =	sdelay $0x1  }
0x8a: {  	s1 =	srdreg.scid  }
0x8b: {  	s0 =	sand.u32 $0x1, s1  }
0x8c: {  	s16 =	sshll.u32 s0, $0xA;
	s2 =	sadd.s32 s3, s2  }
0x8d: {  	s2 =	sadd.s32 s2, s16  }
0x8e: {  	[smem:$0x3FC0] =	sst s2  }
0x8f: {  	_ = 	snop  }
0x90: {  	(tm) =	ssettm $0x1  }
0x91: {  	s17 =	sld [smem:$0x3FFB];
	_ =	sdelay $0x3  }
0x92: {  	_ =	strace s17  }
0x93: {  	s2 =	sld [smem:$0x3FFC];
	_ =	sdelay $0x3  }
0x94: {  	_ =	strace s2  }
0x95: {  	s2 =	sld [smem:$0x3FFD];
	_ =	sdelay $0x3  }
0x96: {  	_ =	strace s2  }
0x97: {  	_ =	strace $0x8FFFFFFF  }
0x98: {  	s18 =	sld [smem:$0x3FDB];
	_ =	sdelay $0x1  }
0x99: {  	s19 =	simm.s32 $_scs_section_size  }
0x9a: {  	s4 =	simm.s32 $_size__tile_overlayer_lowered;
	s5 =	simm.s32 $_tile_overlayer_lowered  }
0x9b: {  	s22 =	simm.s32 $0x1BFF;
	s21 =	sshll.u32 s5, $0x1;
	s2 =	sadd.s32 s19, s18  }
0x9c: {  	s6 =	simm.s32 $0x0;
	s20 =	sshll.u32 s4, $0x1;
	s4 =	sadd.s32 s21, s2  }
0x9d: {  	[timem:s6], [sflag:s22] =	dma.local [hbm:s4], s20  }
0x9e: {  	_ =	swait.ge [sflag:s22], s20  }
0x9f: {  	s3 =	ssub.s32 $0x0, s20;
	[sflag:s22] =	ssyncset.done $0x0  }
0xa0: {  	[sflag:s22] =	ssyncadd.s32 s3;
	_ =	sdelay $0x1  }
0xa1: {  	s23 =	simm.s32 $0x1B8B  }
0xa2: {  	_ =	swait.ge [sflag:s23], $0x1  }
0xa3: {  	[sflag:s23] =	ssyncset.done $0x0  }
0xa4: {  	s25 =	simm.s32 $0x1B8E;
	s24 =	sld [smem:$0x3FFE];
	[sflag:s23] =	ssyncadd.s32 $0xFFFFFFFF  }
0xa5: {  	s26 =	simm.s32 $execute0_lowered;
	[smem:$0x3FD2] =	sst s25  }
0xa6: {  	s4 =	sshll.u32 s26, $0x1;
	_ =	strace $0x80000046;
	[dreg:$0x1] =	wrdreg $0xFFFFFFFF  }
0xa7: {  	s28 =	simm.s32 $_size_execute0_lowered;
	s2 =	sadd.s32 s2, s4;
	[dreg:$0x0] =	wrdreg $0x0  }
0xa8: {  	s4 =	sshll.u32 s28, $0x1;
	[dreg:$0x2] =	wrdreg s2  }
0xa9: {  	[dreg:$0x3] =	wrdreg s4  }
0xaa: {  	[dreg:$0x4] =	wrdreg $0xC0  }
0xab: {  	_ =	task [dreg:s6], $0x5FFFF  }
0xac: {  	[dreg:$0x1] =	wrdreg $0xFFFFFFFF  }
0xad: {  	[dreg:$0x0] =	wrdreg $0x60  }
0xae: {  	[dreg:$0x2] =	wrdreg s24  }
0xaf: {  	[dreg:$0x3] =	wrdreg $0x9  }
0xb0: {  	_ =	task.clear_ibuf [dreg:s6], $0x4FFFF;
	_ =	strace $0x90000046  }
0xb1: {  	s29 =	simm.s32 $0x9;
	_ =	strace $0x80000048  }
0xb2: {  	_ =	swait.ge [sflag:s29], $0x1  }
0xb3: {  	[sflag:s29] =	ssyncadd.s32 $0xFFFFFFFF  }
0xb4: {  	_ =	strace $0x90000048  }
0xb5: {  	_ =	sfence  }
0xb6: {  	s30 =	sld [smem:$0x0];
	_ =	sdelay $0x2  }
0xb7: {  	s31 =	sshll.u32 s1, $0xD;
	s1 =	sshrl.u32 s1, $0x2  }
0xb8: {  	s3 =	sand.u32 $0x4000, s31;
	s1 =	sadd.s32 s1, s30  }
0xb9: {  	s0 =	sor.u32 s3, s0;
	s1 =	sshll.u32 s1, $0x11  }
0xba: {  	s0 =	sor.u32 s1, s0  }
0xbb: {  	s0 =	sadd.s32 $0x8F2B, s0  }
0xbc: {  	[sflag:s0] =	ssyncadd.remote.s32 $0x1  }
0xbd: {  	_ =	sfence.sel $0xFFFF  }
0xbe: {  	[dreg:$0x0] =	wrdreg $0xFFFFFFFF;
	(pc) =	sbr.abs _section_cstart, $3  }
0xbf: {  	[dreg:$0x1] =	wrdreg $0xFFFFFFFF  }
0xc0: {  	_ =	task.clear_ibuf [dreg:s6], $0x2FFFF;
	_ =	strace $0x9FFFFFFF  }
0xc1: {  	(tm) =	ssettm $0x7FFFFFFF  }
tec
execute0_lowered:
.L_overlay_start_1:
0x0: {  	(tag) =	ssettag $0x1  }
0x1: {  	v0 =	vlaneseq.u32  }
0x2: {  	s1 =	srdreg.scid;
	s0 =	stileid.u32;
	v0 =	vmul.u32 $0xE0, v0  }
0x3: {  	s4 =	rddreg [dreg:$0x0];
	s2 =	simm.s32 $0x0;
	s9 =	simm.s32 $0x280  }
0x4: {  	s10 =	simm.s32 $0x140;
	s3 =	sand.u32 $0x1, s1;
	s30 =	sshll.u32 s0, $0x1;
	v1 =	vadd.s32 $0xE00, v0  }
0x5: {  	s11 =	simm.s32 $0x500;
	s12 =	simm.s32 $0x1;
	s5 =	sor.u32 s3, s30;
	v2 =	vadd.s32 $0x1C00, v0;
	v3 =	vadd.s32 $0x2A00, v0;
	v4 =	vadd.s32 $0x3800, v0  }
0x6: {  	s13 =	simm.s32 $0x11D00;
	[smem:$0x7FF] =	sst s2;
	s5 =	smul.u32 $0x50, s5;
	v5 =	vadd.s32 $0x4600, v0;
	v6 =	vadd.s32 $0x5400, v0;
	v7 =	vadd.s32 $0x6200, v0  }
0x7: {  	s1 =	rddreg [dreg:$0x1];
	s6 =	ssub.s32 $0x2, s3;
	_ =	strace $0x80000047;
	v8 =	vor.u32 $0x7000, v0;
	v9 =	vadd.s32 $0x7E00, v0;
	v10 =	vadd.s32 $0x8C00, v0  }
0x8: {  	s3 =	sadd.s32 $0x712C00, s4;
	s31 =	sshrl.u32 s6, $0x1;
	v11 =	vadd.s32 $0x9A00, v0;
	v12 =	vadd.s32 $0xA800, v0;
	v13 =	vadd.s32 $0xB600, v0;
	s7 =	sadd.s32 s5, s4  }
0x9: {  	v14 =	vadd.s32 $0xC400, v0;
	v15 =	vadd.s32 $0xD200, v0;
	v16 =	vor.u32 $0xE000, v0;
	s8 =	ssub.s32 s6, s31;
	s4 =	sadd.s32 $0x13C00, s7;
	s5 =	sadd.s32 $0x14600, s7  }
0xa: {  	v17 =	vadd.s32 $0xEE00, v0;
	v18 =	vadd.s32 $0xFC00, v0;
	v19 =	vadd.s32 $0x10A00, v0;
	s6 =	sadd.s32 $0x15000, s7;
	s7 =	smax.u32 s8, $0x1;
	s8 =	simm.s32 $0x2  }
.LBB2_1:
0xb: {  	[tilespmem:s2], [sflag:$0x2] =	stream.linear.gather [hbm4b:s4+s2], $0x280, $0x38;
	[tilespmem:$0x11F80] =	vst v63  }
0xc: {  	_ =	swait.ge [sflag:s8], $0x280  }
0xd: {  	[sflag:s8] =	ssyncset.done $0x0  }
0xe: {  	[sflag:s8] =	ssyncadd.s32 $0xFFFFFD80  }
0xf: {  	[tilespmem:s9], [sflag:$0x2] =	stream.linear.gather [hbm4b:s5+s2], $0x280, $0x38;
	[tilespmem:$0x11F80] =	vst v63  }
0x10: {  	_ =	swait.ge [sflag:s8], $0x280  }
0x11: {  	[sflag:s8] =	ssyncset.done $0x0  }
0x12: {  	[sflag:s8] =	ssyncadd.s32 $0xFFFFFD80  }
0x13: {  	[tilespmem:s11], [sflag:$0x1] =	stream.indirect.gather [hbm4b:s3+s10], $0xE0, s2, s10, $0xb8;
	[tilespmem:$0x11F80] =	vst v63  }
0x14: {  	_ =	swait.ge [sflag:s12], $0x11800  }
0x15: {  	[sflag:s12] =	ssyncset.done $0x0  }
0x16: {  	[sflag:s12] =	ssyncadd.s32 $0xFFFEE800  }
0x17: {  	v20 =	vld [tilespmem:$0x280];
	_ =	sdelay $0x4  }
0x18: {  	v20 =	vadd.s32 v0, v20  }
0x19: {  	v21 =	vld [tilespmem:$0x290];
	_ =	sdelay $0x3  }
0x1a: {  	v20 =	vld.idx.msk [tilespmem:v20+s11+$0x0], $0xffff  }
0x1b: {  	v21 =	vadd.s32 v1, v21  }
0x1c: {  	v22 =	vld [tilespmem:$0x2A0];
	_ =	sdelay $0x2  }
0x1d: {  	[tilespmem:$0x11D00] =	vst v20  }
0x1e: {  	v20 =	vld.idx.msk [tilespmem:v21+s11+$0x0], $0xffff  }
0x1f: {  	v32 =	vadd.s32 v2, v22  }
0x20: {  	v33 =	vld [tilespmem:$0x2B0];
	_ =	sdelay $0x2  }
0x21: {  	[tilespmem:$0x11D10] =	vst v20  }
0x22: {  	v20 =	vld.idx.msk [tilespmem:v32+s11+$0x0], $0xffff  }
0x23: {  	v34 =	vadd.s32 v3, v33  }
0x24: {  	v35 =	vld [tilespmem:$0x2C0];
	_ =	sdelay $0x2  }
0x25: {  	[tilespmem:$0x11D20] =	vst v20  }
0x26: {  	v20 =	vld.idx.msk [tilespmem:v34+s11+$0x0], $0xffff  }
0x27: {  	v36 =	vadd.s32 v4, v35  }
0x28: {  	v37 =	vld [tilespmem:$0x2D0];
	_ =	sdelay $0x2  }
0x29: {  	[tilespmem:$0x11D30] =	vst v20  }
0x2a: {  	v20 =	vld.idx.msk [tilespmem:v36+s11+$0x0], $0xffff  }
0x2b: {  	v38 =	vadd.s32 v5, v37  }
0x2c: {  	v39 =	vld [tilespmem:$0x2E0];
	_ =	sdelay $0x2  }
0x2d: {  	[tilespmem:$0x11D40] =	vst v20  }
0x2e: {  	v20 =	vld.idx.msk [tilespmem:v38+s11+$0x0], $0xffff  }
0x2f: {  	v40 =	vadd.s32 v6, v39  }
0x30: {  	v41 =	vld [tilespmem:$0x2F0];
	_ =	sdelay $0x2  }
0x31: {  	[tilespmem:$0x11D50] =	vst v20  }
0x32: {  	v20 =	vld.idx.msk [tilespmem:v40+s11+$0x0], $0xffff  }
0x33: {  	v42 =	vadd.s32 v7, v41  }
0x34: {  	v43 =	vld [tilespmem:$0x300];
	_ =	sdelay $0x2  }
0x35: {  	[tilespmem:$0x11D60] =	vst v20  }
0x36: {  	v20 =	vld.idx.msk [tilespmem:v42+s11+$0x0], $0xffff  }
0x37: {  	v44 =	vadd.s32 v8, v43  }
0x38: {  	v45 =	vld [tilespmem:$0x310];
	_ =	sdelay $0x2  }
0x39: {  	[tilespmem:$0x11D70] =	vst v20  }
0x3a: {  	v20 =	vld.idx.msk [tilespmem:v44+s11+$0x0], $0xffff  }
0x3b: {  	v46 =	vadd.s32 v9, v45  }
0x3c: {  	v47 =	vld [tilespmem:$0x320];
	_ =	sdelay $0x2  }
0x3d: {  	[tilespmem:$0x11D80] =	vst v20  }
0x3e: {  	v20 =	vld.idx.msk [tilespmem:v46+s11+$0x0], $0xffff  }
0x3f: {  	v48 =	vadd.s32 v10, v47  }
0x40: {  	v49 =	vld [tilespmem:$0x330];
	_ =	sdelay $0x2  }
0x41: {  	[tilespmem:$0x11D90] =	vst v20  }
0x42: {  	v20 =	vld.idx.msk [tilespmem:v48+s11+$0x0], $0xffff  }
0x43: {  	v50 =	vadd.s32 v11, v49  }
0x44: {  	v51 =	vld [tilespmem:$0x340];
	_ =	sdelay $0x2  }
0x45: {  	[tilespmem:$0x11DA0] =	vst v20  }
0x46: {  	v20 =	vld.idx.msk [tilespmem:v50+s11+$0x0], $0xffff  }
0x47: {  	v52 =	vadd.s32 v12, v51  }
0x48: {  	v53 =	vld [tilespmem:$0x350];
	_ =	sdelay $0x2  }
0x49: {  	[tilespmem:$0x11DB0] =	vst v20  }
0x4a: {  	v20 =	vld.idx.msk [tilespmem:v52+s11+$0x0], $0xffff  }
0x4b: {  	v54 =	vadd.s32 v13, v53  }
0x4c: {  	v55 =	vld [tilespmem:$0x360];
	_ =	sdelay $0x2  }
0x4d: {  	[tilespmem:$0x11DC0] =	vst v20  }
0x4e: {  	v20 =	vld.idx.msk [tilespmem:v54+s11+$0x0], $0xffff  }
0x4f: {  	v56 =	vadd.s32 v14, v55  }
0x50: {  	v57 =	vld [tilespmem:$0x370];
	_ =	sdelay $0x2  }
0x51: {  	[tilespmem:$0x11DD0] =	vst v20  }
0x52: {  	v20 =	vld.idx.msk [tilespmem:v56+s11+$0x0], $0xffff  }
0x53: {  	v58 =	vadd.s32 v15, v57  }
0x54: {  	v59 =	vld [tilespmem:$0x380];
	_ =	sdelay $0x2  }
0x55: {  	[tilespmem:$0x11DE0] =	vst v20  }
0x56: {  	v20 =	vld.idx.msk [tilespmem:v58+s11+$0x0], $0xffff  }
0x57: {  	v60 =	vadd.s32 v16, v59  }
0x58: {  	v61 =	vld [tilespmem:$0x390];
	_ =	sdelay $0x2  }
0x59: {  	[tilespmem:$0x11DF0] =	vst v20  }
0x5a: {  	v20 =	vld.idx.msk [tilespmem:v60+s11+$0x0], $0xffff  }
0x5b: {  	v62 =	vadd.s32 v17, v61  }
0x5c: {  	v63 =	vld [tilespmem:$0x3A0];
	_ =	sdelay $0x2  }
0x5d: {  	[tilespmem:$0x11E00] =	vst v20  }
0x5e: {  	v20 =	vld.idx.msk [tilespmem:v62+s11+$0x0], $0xffff  }
0x5f: {  	v24 =	vadd.s32 v18, v63  }
0x60: {  	v25 =	vld [tilespmem:$0x3B0];
	_ =	sdelay $0x2  }
0x61: {  	[tilespmem:$0x11E10] =	vst v20  }
0x62: {  	v20 =	vld.idx.msk [tilespmem:v24+s11+$0x0], $0xffff  }
0x63: {  	v26 =	vadd.s32 v19, v25;
	_ =	sdelay $0x3  }
0x64: {  	[tilespmem:$0x11E20] =	vst v20  }
0x65: {  	v20 =	vld.idx.msk [tilespmem:v26+s11+$0x0], $0xffff;
	_ =	sdelay $0x4  }
0x66: {  	[tilespmem:$0x11E30] =	vst v20  }
0x67: {  	[tilespmem:s11], [sflag:$0x1] =	stream.indirect.gather [hbm4b:s3+s10], $0xE0, s10, s10, $0xb8;
	[tilespmem:$0x11F80] =	vst v63  }
0x68: {  	_ =	swait.ge [sflag:s12], $0x11800  }
0x69: {  	[sflag:s12] =	ssyncset.done $0x0  }
0x6a: {  	[sflag:s12] =	ssyncadd.s32 $0xFFFEE800  }
0x6b: {  	v20 =	vld [tilespmem:$0x3C0];
	_ =	sdelay $0x4  }
0x6c: {  	v20 =	vadd.s32 v0, v20  }
0x6d: {  	v27 =	vld [tilespmem:$0x3D0];
	_ =	sdelay $0x3  }
0x6e: {  	v20 =	vld.idx.msk [tilespmem:v20+s11+$0x0], $0xffff  }
0x6f: {  	v21 =	vadd.s32 v1, v27  }
0x70: {  	v28 =	vld [tilespmem:$0x3E0];
	_ =	sdelay $0x2  }
0x71: {  	[tilespmem:$0x11E40] =	vst v20  }
0x72: {  	v20 =	vld.idx.msk [tilespmem:v21+s11+$0x0], $0xffff  }
0x73: {  	v29 =	vadd.s32 v2, v28  }
0x74: {  	v30 =	vld [tilespmem:$0x3F0];
	_ =	sdelay $0x2  }
0x75: {  	[tilespmem:$0x11E50] =	vst v20  }
0x76: {  	v20 =	vld.idx.msk [tilespmem:v29+s11+$0x0], $0xffff  }
0x77: {  	v31 =	vadd.s32 v3, v30  }
0x78: {  	v32 =	vld [tilespmem:$0x400];
	_ =	sdelay $0x2  }
0x79: {  	[tilespmem:$0x11E60] =	vst v20  }
0x7a: {  	v20 =	vld.idx.msk [tilespmem:v31+s11+$0x0], $0xffff  }
0x7b: {  	v33 =	vadd.s32 v4, v32  }
0x7c: {  	v34 =	vld [tilespmem:$0x410];
	_ =	sdelay $0x2  }
0x7d: {  	[tilespmem:$0x11E70] =	vst v20  }
0x7e: {  	v20 =	vld.idx.msk [tilespmem:v33+s11+$0x0], $0xffff  }
0x7f: {  	v35 =	vadd.s32 v5, v34  }
0x80: {  	v36 =	vld [tilespmem:$0x420];
	_ =	sdelay $0x2  }
0x81: {  	[tilespmem:$0x11E80] =	vst v20  }
0x82: {  	v20 =	vld.idx.msk [tilespmem:v35+s11+$0x0], $0xffff  }
0x83: {  	v37 =	vadd.s32 v6, v36  }
0x84: {  	v38 =	vld [tilespmem:$0x430];
	_ =	sdelay $0x2  }
0x85: {  	[tilespmem:$0x11E90] =	vst v20  }
0x86: {  	v20 =	vld.idx.msk [tilespmem:v37+s11+$0x0], $0xffff  }
0x87: {  	v39 =	vadd.s32 v7, v38  }
0x88: {  	v40 =	vld [tilespmem:$0x440];
	_ =	sdelay $0x2  }
0x89: {  	[tilespmem:$0x11EA0] =	vst v20  }
0x8a: {  	v20 =	vld.idx.msk [tilespmem:v39+s11+$0x0], $0xffff  }
0x8b: {  	v41 =	vadd.s32 v8, v40  }
0x8c: {  	v42 =	vld [tilespmem:$0x450];
	_ =	sdelay $0x2  }
0x8d: {  	[tilespmem:$0x11EB0] =	vst v20  }
0x8e: {  	v20 =	vld.idx.msk [tilespmem:v41+s11+$0x0], $0xffff  }
0x8f: {  	v43 =	vadd.s32 v9, v42  }
0x90: {  	v44 =	vld [tilespmem:$0x460];
	_ =	sdelay $0x2  }
0x91: {  	[tilespmem:$0x11EC0] =	vst v20  }
0x92: {  	v20 =	vld.idx.msk [tilespmem:v43+s11+$0x0], $0xffff  }
0x93: {  	v45 =	vadd.s32 v10, v44  }
0x94: {  	v46 =	vld [tilespmem:$0x470];
	_ =	sdelay $0x2  }
0x95: {  	[tilespmem:$0x11ED0] =	vst v20  }
0x96: {  	v20 =	vld.idx.msk [tilespmem:v45+s11+$0x0], $0xffff  }
0x97: {  	v47 =	vadd.s32 v11, v46  }
0x98: {  	v48 =	vld [tilespmem:$0x480];
	_ =	sdelay $0x2  }
0x99: {  	[tilespmem:$0x11EE0] =	vst v20  }
0x9a: {  	v20 =	vld.idx.msk [tilespmem:v47+s11+$0x0], $0xffff  }
0x9b: {  	v49 =	vadd.s32 v12, v48  }
0x9c: {  	v50 =	vld [tilespmem:$0x490];
	_ =	sdelay $0x2  }
0x9d: {  	[tilespmem:$0x11EF0] =	vst v20  }
0x9e: {  	v20 =	vld.idx.msk [tilespmem:v49+s11+$0x0], $0xffff  }
0x9f: {  	v51 =	vadd.s32 v13, v50  }
0xa0: {  	v52 =	vld [tilespmem:$0x4A0];
	_ =	sdelay $0x2  }
0xa1: {  	[tilespmem:$0x11F00] =	vst v20  }
0xa2: {  	v20 =	vld.idx.msk [tilespmem:v51+s11+$0x0], $0xffff  }
0xa3: {  	v53 =	vadd.s32 v14, v52  }
0xa4: {  	v54 =	vld [tilespmem:$0x4B0];
	_ =	sdelay $0x2  }
0xa5: {  	[tilespmem:$0x11F10] =	vst v20  }
0xa6: {  	v20 =	vld.idx.msk [tilespmem:v53+s11+$0x0], $0xffff  }
0xa7: {  	v55 =	vadd.s32 v15, v54  }
0xa8: {  	v56 =	vld [tilespmem:$0x4C0];
	_ =	sdelay $0x2  }
0xa9: {  	[tilespmem:$0x11F20] =	vst v20  }
0xaa: {  	v20 =	vld.idx.msk [tilespmem:v55+s11+$0x0], $0xffff  }
0xab: {  	v57 =	vadd.s32 v16, v56  }
0xac: {  	v58 =	vld [tilespmem:$0x4D0];
	_ =	sdelay $0x2  }
0xad: {  	[tilespmem:$0x11F30] =	vst v20  }
0xae: {  	v20 =	vld.idx.msk [tilespmem:v57+s11+$0x0], $0xffff  }
0xaf: {  	v59 =	vadd.s32 v17, v58  }
0xb0: {  	v60 =	vld [tilespmem:$0x4E0];
	_ =	sdelay $0x2  }
0xb1: {  	[tilespmem:$0x11F40] =	vst v20  }
0xb2: {  	v20 =	vld.idx.msk [tilespmem:v59+s11+$0x0], $0xffff  }
0xb3: {  	v61 =	vadd.s32 v18, v60  }
0xb4: {  	v62 =	vld [tilespmem:$0x4F0];
	_ =	sdelay $0x2  }
0xb5: {  	[tilespmem:$0x11F50] =	vst v20  }
0xb6: {  	v20 =	vld.idx.msk [tilespmem:v61+s11+$0x0], $0xffff  }
0xb7: {  	v63 =	vadd.s32 v19, v62;
	_ =	sdelay $0x3  }
0xb8: {  	[tilespmem:$0x11F60] =	vst v20  }
0xb9: {  	v20 =	vld.idx.msk [tilespmem:v63+s11+$0x0], $0xffff;
	_ =	sdelay $0x3  }
0xba: {  	p0 =	sne.s32 s7, $0x1  }
.Ltmp0:
0xbb: {  	[tilespmem:$0x11F70] =	vst v20;
	(pc) =	sbr.rel @p0 .LBB2_1-.Ltmp0, $4  }
0xbc: {  	[hbm4b:s6+s2] =	stream.linear.scatter [tilespmem:s13], [sflag:$0x2], $0x280, $0x38;
	[tilespmem:$0x11F80] =	vst v63  }
0xbd: {  	_ =	swait.ge [sflag:s8], $0x280  }
0xbe: {  	[sflag:s8] =	ssyncset.done $0x0  }
0xbf: {  	s7 =	sadd.s32 $0xFFFFFFFF, s7;
	[sflag:s8] =	ssyncadd.s32 $0xFFFFFD80  }
0xc0: {  	_ =	sfence.sel $0x180000  }
0xc1: {  	[bflag:$0x0] =	sbarrier.arrive $0xFFFF  }
0xc2: {  	p0 =	sne.s32 s0, $0x0;
	_ =	strace $0x90000047  }
0xc3: {  	s0 =	sadd.s32 @!p0 $0x100000, s1;
	[bflag:$0x2] =	sbarrier.arrive $0xFFFF  }
0xc4: {  	[sflag:s0] =	ssyncadd.tile.s32 @!p0 $0x1;
	_ =	shalt  }
.Lfunc_end2:
_tile_overlayer_lowered:
.L_overlay_start_2:
0xc5: {  	(tag) =	ssettag $0x2  }
0xc6: {  	s0 =	rddreg [dreg:$0x0];
	s2 =	stileid.u32  }
0xc7: {  	s1 =	rddreg [dreg:$0x1];
	p0 =	sne.s32 s2, $0x0  }
0xc8: {  	s3 =	rddreg [dreg:$0x2];
	[bflag:$0x3] =	sbarrier.arrive $0xFFFF;
	s2 =	simm.s32 @!p0 $0x1C02  }
0xc9: {  	[timem:s3], [sflag:s2] =	dma.local @!p0 [hbm:s0], s1  }
0xca: {  	s0 =	simm.s32 @!p0 $0x2  }
0xcb: {  	_ =	swait.ge @!p0 [sflag:s0], s1  }
0xcc: {  	s1 =	ssub.s32 @!p0 $0x0, s1;
	[sflag:s0] =	ssyncset.done @!p0 $0x0  }
0xcd: {  	[sflag:s0] =	ssyncadd.s32 @!p0 s1  }
0xce: {  	[bflag:$0x3] =	sbarrier.arrive $0xFFFF  }
0xcf: {  	_ =	shalt  }

</sc_bundles>
